<compile_context>
chip_gen: v7x
topology: tpu7x:2x2x1
jax: 0.10.2.dev20260603
libtpu: 0.0.44.dev20260713+nightly
codegen_flags: <defaults>
</compile_context>

<pallas_src>
import jax
import jax.numpy as jnp
from jax import lax
from jax.experimental import pallas as pl
from jax.experimental.pallas import tpu as pltpu
from jax.experimental.pallas import tpu_sc as plsc

NUM_POINTS = 2_000_000
N_NEW = 1_000_000
N_FEAT = 1000
D_FEAT = 512

NC = 2
NS = 16
NW = NC * NS

PTS_NEW = N_NEW * 3
PTS_TOT = NUM_POINTS * 3
FEAT_TOT = N_FEAT * D_FEAT

PW = 24
PCHUNK = PTS_NEW // PW
LW = NW - PW
LCHUNK = N_NEW // LW
FCHUNK = FEAT_TOT // NW

CH = 25_000
NSUB = PCHUNK // CH

assert PCHUNK * PW == PTS_NEW and PCHUNK % 8 == 0
assert LCHUNK * LW == N_NEW and LCHUNK == PCHUNK
assert FCHUNK * NW == FEAT_TOT and FCHUNK % 8 == 0
assert NSUB * CH == PCHUNK and CH % 8 == 0 and FCHUNK <= CH


def _staged_pipeline(subs, bufs, rsem, wsem):
    n = len(subs)
    reads, writes = [], []
    for i, (src, dst, off) in enumerate(subs):
        reads.append(pltpu.make_async_copy(
            src.at[pl.ds(off, CH)], bufs[i % 2], rsem))
        writes.append(pltpu.make_async_copy(
            bufs[i % 2], dst.at[pl.ds(off, CH)], wsem))
    reads[0].start()
    for i in range(n):
        reads[i].wait()
        writes[i].start()
        if i + 1 < n:
            if i >= 1:
                writes[i - 1].wait()
            reads[i + 1].start()
    if n >= 2:
        writes[n - 2].wait()
    writes[n - 1].wait()


def _copy_body(np_ref, pose_ref, nl_ref, feat_ref, pbuf_ref, lbuf_ref,
               out_p, out_pose, out_l, out_f,
               fbuf0, fbuf1, ibuf0, ibuf1, rsem, wsem):
    wid = lax.axis_index("s") * NC + lax.axis_index("c")

    fb = pl.multiple_of(wid * FCHUNK, 8)
    feat_rd = pltpu.make_async_copy(
        feat_ref.at[pl.ds(fb, FCHUNK)], fbuf0.at[pl.ds(0, FCHUNK)], rsem)
    feat_wr = pltpu.make_async_copy(
        fbuf0.at[pl.ds(0, FCHUNK)], out_f.at[pl.ds(fb, FCHUNK)], wsem)
    feat_rd.start()
    feat_rd.wait()
    feat_wr.start()
    feat_wr.wait()

    @pl.when(wid == 0)
    def _pose():
        pose_rd = pltpu.make_async_copy(pose_ref, fbuf0.at[pl.ds(0, 16)], rsem)
        pose_wr = pltpu.make_async_copy(fbuf0.at[pl.ds(0, 16)], out_pose, wsem)
        pose_rd.start()
        pose_rd.wait()
        pose_wr.start()
        pose_wr.wait()

    @pl.when(wid < PW)
    def _points():
        b = pl.multiple_of(wid * PCHUNK, 8)
        t = pl.multiple_of(PTS_NEW + wid * PCHUNK, 8)
        subs = ([(np_ref, out_p, b + j * CH) for j in range(NSUB)]
                + [(pbuf_ref, out_p, t + j * CH) for j in range(NSUB)])
        _staged_pipeline(subs, (fbuf0, fbuf1), rsem, wsem)

    @pl.when(wid >= PW)
    def _labels():
        w = wid - PW
        b = pl.multiple_of(w * LCHUNK, 8)
        t = pl.multiple_of(N_NEW + w * LCHUNK, 8)
        subs = ([(nl_ref, out_l, b + j * CH) for j in range(NSUB)]
                + [(lbuf_ref, out_l, t + j * CH) for j in range(NSUB)])
        _staged_pipeline(subs, (ibuf0, ibuf1), rsem, wsem)


@jax.jit
def _scatter_copy(np_flat, pose_flat, new_labels, feat_flat, pbuf_flat, lbuf):
    run = pl.kernel(
        _copy_body,
        out_type=(
            jax.ShapeDtypeStruct((PTS_TOT,), jnp.float32),
            jax.ShapeDtypeStruct((16,), jnp.float32),
            jax.ShapeDtypeStruct((NUM_POINTS,), jnp.int32),
            jax.ShapeDtypeStruct((FEAT_TOT,), jnp.float32),
        ),
        mesh=plsc.VectorSubcoreMesh(
            core_axis_name="c", subcore_axis_name="s"),
        scratch_types=[
            pltpu.VMEM((CH,), jnp.float32),
            pltpu.VMEM((CH,), jnp.float32),
            pltpu.VMEM((CH,), jnp.int32),
            pltpu.VMEM((CH,), jnp.int32),
            pltpu.SemaphoreType.DMA,
            pltpu.SemaphoreType.DMA,
        ],
    )
    return run(np_flat, pose_flat, new_labels, feat_flat, pbuf_flat, lbuf)


def kernel(new_points, pose, new_point_label, new_label_feature,
           points_buf, points_label_buf, label_feature_buf, pose_buf):
    del label_feature_buf, pose_buf
    out_p, out_pose, out_l, out_f = _scatter_copy(
        new_points.reshape(PTS_NEW),
        pose.reshape(16),
        new_point_label,
        new_label_feature.reshape(FEAT_TOT),
        points_buf.reshape(PTS_TOT),
        points_label_buf,
    )
    return (out_p.reshape(NUM_POINTS, 3), out_pose.reshape(4, 4), out_l,
            out_f.reshape(N_FEAT, D_FEAT))

# --- scband reference (transcript-rebuilt; emitter-appended) ---
"""Pipeline reference for scband-shared-vdbpoints-70617852281061 (READ-ONLY COPY).

The authoritative reference and input builder live on the scoring server;
editing this copy changes nothing except your own understanding.
"""

import jax, jax.numpy as jnp
import numpy as np

NUM_POINTS = 2000000
N_NEW = 1000000
N_FEAT = 1000
D_FEAT = 512

def setup_inputs(seed: int = 0) -> dict:
    key = jax.random.key(seed)
    k1, k2, k3, k4 = jax.random.split(key, 4)
    return {
        "new_points": jax.random.normal(k1, (N_NEW, 3), dtype=jnp.float32),
        "pose": jax.random.normal(k2, (4, 4), dtype=jnp.float32),
        "new_point_label": jax.random.randint(k3, (N_NEW,), 0, 1000, dtype=jnp.int32),
        "new_label_feature": jax.random.normal(k4, (N_FEAT, D_FEAT), dtype=jnp.float32),
        # Buffers materialized per __init__ (num_points=NUM_POINTS)
        "points_buf": jnp.zeros((NUM_POINTS, 3), dtype=jnp.float32),
        "points_label_buf": jnp.zeros((NUM_POINTS,), dtype=jnp.int32),
        "label_feature_buf": jnp.zeros((1000, 512), dtype=jnp.float32),
        "pose_buf": jnp.zeros((4, 4), dtype=jnp.float32),
    }

def reference(new_points, pose, new_point_label, new_label_feature,
              points_buf, points_label_buf, label_feature_buf, pose_buf):
    # Faithful translation of input_values_from_tracker: slice-overwrite
    # scatter writes into the shared VDB buffers.
    n = new_points.shape[0]          # using_idx[0]
    m = new_label_feature.shape[0]   # label_feature_idx[0]
    points_new = points_buf.at[:n, :].set(new_points)
    pose_new = pose_buf.at[:, :].set(pose)
    labels_new = points_label_buf.at[:n].set(new_point_label)
    feat_new = label_feature_buf.at[:m, :].set(new_label_feature)
    return points_new, pose_new, labels_new, feat_new

if __name__ == "__main__":
    import jax
    _d = setup_inputs()
    print(jax.jit(kernel)(*tuple(_d.values())))

</pallas_src>

<mosaic_0001>
#map = affine_map<(d0, d1) -> (0)>
module attributes {stable_mosaic.version = 14 : i64} {
  func.func @_copy_body(%arg0: i32, %arg1: i32, %arg2: memref<3000000xf32, #tpu.memory_space<hbm>>, %arg3: memref<16xf32, #tpu.memory_space<hbm>>, %arg4: memref<1000000xi32, #tpu.memory_space<hbm>>, %arg5: memref<512000xf32, #tpu.memory_space<hbm>>, %arg6: memref<6000000xf32, #tpu.memory_space<hbm>>, %arg7: memref<2000000xi32, #tpu.memory_space<hbm>>, %arg8: memref<6000000xf32, #tpu.memory_space<hbm>>, %arg9: memref<16xf32, #tpu.memory_space<hbm>>, %arg10: memref<2000000xi32, #tpu.memory_space<hbm>>, %arg11: memref<512000xf32, #tpu.memory_space<hbm>>, %arg12: memref<25000xf32, #tpu.memory_space<vmem>>, %arg13: memref<25000xf32, #tpu.memory_space<vmem>>, %arg14: memref<25000xi32, #tpu.memory_space<vmem>>, %arg15: memref<25000xi32, #tpu.memory_space<vmem>>, %arg16: memref<!tpu.dma_semaphore, #tpu.memory_space<semaphore_mem>>, %arg17: memref<!tpu.dma_semaphore, #tpu.memory_space<semaphore_mem>>) attributes {dimension_semantics = [#tpu.dimension_semantics<core_parallel>, #tpu.dimension_semantics<subcore_parallel>], iteration_bounds = array<i64: 2, 16>, scalar_prefetch = 0 : i64, scratch_operands = 6 : i64, tpu.core_type = #tpu.core_type<sc_vector_subcore>, window_params = [{transform_indices = #map}, {transform_indices = #map}, {transform_indices = #map}, {transform_indices = #map}, {transform_indices = #map}, {transform_indices = #map}, {transform_indices = #map}, {transform_indices = #map}, {transform_indices = #map}, {transform_indices = #map}]} {
    %mul3A = arith.constant 2 : i32
    %mul3A_0 = arith.muli %arg1, %mul3A : i32
    %add3A = arith.addi %mul3A_0, %arg0 : i32
    %mul3A_1 = arith.constant 16000 : i32
    %mul3A_2 = arith.muli %add3A, %mul3A_1 : i32
    %multiple_of3A = tpu.assume_multiple %mul3A_2, 8 : i32
    %dma_start3A = arith.constant 0 : i32
    %dma_start3A_3 = tpu.memref_slice %arg12[%dma_start3A] : memref<25000xf32, #tpu.memory_space<vmem>> -> memref<16000xf32, #tpu.memory_space<vmem>>
    %dma_start3A_4 = tpu.memref_slice %arg5[%multiple_of3A] : memref<512000xf32, #tpu.memory_space<hbm>> -> memref<16000xf32, #tpu.memory_space<hbm>>
    %dma_start3A_5 = arith.constant 0 : i32
    %dma_start3A_6 = tpu.memref_slice %arg12[%dma_start3A_5] : memref<25000xf32, #tpu.memory_space<vmem>> -> memref<16000xf32, #tpu.memory_space<vmem>>
    %dma_start3A_7 = tpu.memref_slice %arg5[%multiple_of3A] : memref<512000xf32, #tpu.memory_space<hbm>> -> memref<16000xf32, #tpu.memory_space<hbm>>
    tpu.enqueue_dma source(%dma_start3A_7 : memref<16000xf32, #tpu.memory_space<hbm>>) target(%dma_start3A_6 : memref<16000xf32, #tpu.memory_space<vmem>>) target_semaphore(%arg16 : memref<!tpu.dma_semaphore, #tpu.memory_space<semaphore_mem>>)
    %dma_wait3A = arith.constant 0 : i32
    %dma_wait3A_8 = tpu.memref_slice %arg12[%dma_wait3A] : memref<25000xf32, #tpu.memory_space<vmem>> -> memref<16000xf32, #tpu.memory_space<vmem>>
    %dma_wait3A_9 = tpu.memref_slice %arg5[%multiple_of3A] : memref<512000xf32, #tpu.memory_space<hbm>> -> memref<16000xf32, #tpu.memory_space<hbm>>
    %dma_wait3A_10 = arith.constant 0 : i32
    %dma_wait3A_11 = tpu.memref_slice %arg12[%dma_wait3A_10] : memref<25000xf32, #tpu.memory_space<vmem>> -> memref<16000xf32, #tpu.memory_space<vmem>>
    %dma_wait3A_12 = tpu.memref_slice %arg5[%multiple_of3A] : memref<512000xf32, #tpu.memory_space<hbm>> -> memref<16000xf32, #tpu.memory_space<hbm>>
    tpu.wait_dma2 semaphore(%arg16 : memref<!tpu.dma_semaphore, #tpu.memory_space<semaphore_mem>>) src(%dma_wait3A_12 : memref<16000xf32, #tpu.memory_space<hbm>>) dst(%dma_wait3A_11 : memref<16000xf32, #tpu.memory_space<vmem>>)
    %dma_start3A_13 = arith.constant 0 : i32
    %dma_start3A_14 = tpu.memref_slice %arg12[%dma_start3A_13] : memref<25000xf32, #tpu.memory_space<vmem>> -> memref<16000xf32, #tpu.memory_space<vmem>>
    %dma_start3A_15 = tpu.memref_slice %arg11[%multiple_of3A] : memref<512000xf32, #tpu.memory_space<hbm>> -> memref<16000xf32, #tpu.memory_space<hbm>>
    %dma_start3A_16 = tpu.memref_slice %arg11[%multiple_of3A] : memref<512000xf32, #tpu.memory_space<hbm>> -> memref<16000xf32, #tpu.memory_space<hbm>>
    %dma_start3A_17 = arith.constant 0 : i32
    %dma_start3A_18 = tpu.memref_slice %arg12[%dma_start3A_17] : memref<25000xf32, #tpu.memory_space<vmem>> -> memref<16000xf32, #tpu.memory_space<vmem>>
    tpu.enqueue_dma source(%dma_start3A_18 : memref<16000xf32, #tpu.memory_space<vmem>>) target(%dma_start3A_16 : memref<16000xf32, #tpu.memory_space<hbm>>) target_semaphore(%arg17 : memref<!tpu.dma_semaphore, #tpu.memory_space<semaphore_mem>>)
    %dma_wait3A_19 = arith.constant 0 : i32
    %dma_wait3A_20 = tpu.memref_slice %arg12[%dma_wait3A_19] : memref<25000xf32, #tpu.memory_space<vmem>> -> memref<16000xf32, #tpu.memory_space<vmem>>
    %dma_wait3A_21 = tpu.memref_slice %arg11[%multiple_of3A] : memref<512000xf32, #tpu.memory_space<hbm>> -> memref<16000xf32, #tpu.memory_space<hbm>>
    %dma_wait3A_22 = tpu.memref_slice %arg11[%multiple_of3A] : memref<512000xf32, #tpu.memory_space<hbm>> -> memref<16000xf32, #tpu.memory_space<hbm>>
    %dma_wait3A_23 = arith.constant 0 : i32
    %dma_wait3A_24 = tpu.memref_slice %arg12[%dma_wait3A_23] : memref<25000xf32, #tpu.memory_space<vmem>> -> memref<16000xf32, #tpu.memory_space<vmem>>
    tpu.wait_dma2 semaphore(%arg17 : memref<!tpu.dma_semaphore, #tpu.memory_space<semaphore_mem>>) src(%dma_wait3A_24 : memref<16000xf32, #tpu.memory_space<vmem>>) dst(%dma_wait3A_22 : memref<16000xf32, #tpu.memory_space<hbm>>)
    %eq3A = arith.constant 0 : i32
    %eq3A_25 = arith.cmpi eq, %add3A, %eq3A : i32
    %convert_element_type3A = arith.extui %eq3A_25 : i1 to i32
    %cond3A = arith.constant 0 : i32
    %cond3A_26 = arith.cmpi ne, %convert_element_type3A, %cond3A : i32
    scf.if %cond3A_26 {
      %dma_start3A_35 = arith.constant 0 : i32
      %dma_start3A_36 = tpu.memref_slice %arg12[%dma_start3A_35] : memref<25000xf32, #tpu.memory_space<vmem>> -> memref<16xf32, #tpu.memory_space<vmem>>
      %dma_start3A_37 = arith.constant 0 : i32
      %dma_start3A_38 = tpu.memref_slice %arg12[%dma_start3A_37] : memref<25000xf32, #tpu.memory_space<vmem>> -> memref<16xf32, #tpu.memory_space<vmem>>
      tpu.enqueue_dma source(%arg3 : memref<16xf32, #tpu.memory_space<hbm>>) target(%dma_start3A_38 : memref<16xf32, #tpu.memory_space<vmem>>) target_semaphore(%arg16 : memref<!tpu.dma_semaphore, #tpu.memory_space<semaphore_mem>>)
      %dma_wait3A_39 = arith.constant 0 : i32
      %dma_wait3A_40 = tpu.memref_slice %arg12[%dma_wait3A_39] : memref<25000xf32, #tpu.memory_space<vmem>> -> memref<16xf32, #tpu.memory_space<vmem>>
      %dma_wait3A_41 = arith.constant 0 : i32
      %dma_wait3A_42 = tpu.memref_slice %arg12[%dma_wait3A_41] : memref<25000xf32, #tpu.memory_space<vmem>> -> memref<16xf32, #tpu.memory_space<vmem>>
      tpu.wait_dma2 semaphore(%arg16 : memref<!tpu.dma_semaphore, #tpu.memory_space<semaphore_mem>>) src(%arg3 : memref<16xf32, #tpu.memory_space<hbm>>) dst(%dma_wait3A_42 : memref<16xf32, #tpu.memory_space<vmem>>)
      %dma_start3A_43 = arith.constant 0 : i32
      %dma_start3A_44 = tpu.memref_slice %arg12[%dma_start3A_43] : memref<25000xf32, #tpu.memory_space<vmem>> -> memref<16xf32, #tpu.memory_space<vmem>>
      %dma_start3A_45 = arith.constant 0 : i32
      %dma_start3A_46 = tpu.memref_slice %arg12[%dma_start3A_45] : memref<25000xf32, #tpu.memory_space<vmem>> -> memref<16xf32, #tpu.memory_space<vmem>>
      tpu.enqueue_dma source(%dma_start3A_46 : memref<16xf32, #tpu.memory_space<vmem>>) target(%arg9 : memref<16xf32, #tpu.memory_space<hbm>>) target_semaphore(%arg17 : memref<!tpu.dma_semaphore, #tpu.memory_space<semaphore_mem>>)
      %dma_wait3A_47 = arith.constant 0 : i32
      %dma_wait3A_48 = tpu.memref_slice %arg12[%dma_wait3A_47] : memref<25000xf32, #tpu.memory_space<vmem>> -> memref<16xf32, #tpu.memory_space<vmem>>
      %dma_wait3A_49 = arith.constant 0 : i32
      %dma_wait3A_50 = tpu.memref_slice %arg12[%dma_wait3A_49] : memref<25000xf32, #tpu.memory_space<vmem>> -> memref<16xf32, #tpu.memory_space<vmem>>
      tpu.wait_dma2 semaphore(%arg17 : memref<!tpu.dma_semaphore, #tpu.memory_space<semaphore_mem>>) src(%dma_wait3A_50 : memref<16xf32, #tpu.memory_space<vmem>>) dst(%arg9 : memref<16xf32, #tpu.memory_space<hbm>>)
    } else {
    }
    %lt3A = arith.constant 24 : i32
    %lt3A_27 = arith.cmpi slt, %add3A, %lt3A : i32
    %convert_element_type3A_28 = arith.extui %lt3A_27 : i1 to i32
    %cond3A_29 = arith.constant 0 : i32
    %cond3A_30 = arith.cmpi ne, %convert_element_type3A_28, %cond3A_29 : i32
    scf.if %cond3A_30 {
      %mul3A_35 = arith.constant 125000 : i32
      %mul3A_36 = arith.muli %add3A, %mul3A_35 : i32
      %multiple_of3A_37 = tpu.assume_multiple %mul3A_36, 8 : i32
      %mul3A_38 = arith.constant 125000 : i32
      %mul3A_39 = arith.muli %add3A, %mul3A_38 : i32
      %add3A_40 = arith.constant 3000000 : i32
      %add3A_41 = arith.addi %add3A_40, %mul3A_39 : i32
      %multiple_of3A_42 = tpu.assume_multiple %add3A_41, 8 : i32
      %add3A_43 = arith.constant 0 : i32
      %add3A_44 = arith.addi %multiple_of3A_37, %add3A_43 : i32
      %add3A_45 = arith.constant 25000 : i32
      %add3A_46 = arith.addi %multiple_of3A_37, %add3A_45 : i32
      %add3A_47 = arith.constant 50000 : i32
      %add3A_48 = arith.addi %multiple_of3A_37, %add3A_47 : i32
      %add3A_49 = arith.constant 75000 : i32
      %add3A_50 = arith.addi %multiple_of3A_37, %add3A_49 : i32
      %add3A_51 = arith.constant 100000 : i32
      %add3A_52 = arith.addi %multiple_of3A_37, %add3A_51 : i32
      %add3A_53 = arith.constant 0 : i32
      %add3A_54 = arith.addi %multiple_of3A_42, %add3A_53 : i32
      %add3A_55 = arith.constant 25000 : i32
      %add3A_56 = arith.addi %multiple_of3A_42, %add3A_55 : i32
      %add3A_57 = arith.constant 50000 : i32
      %add3A_58 = arith.addi %multiple_of3A_42, %add3A_57 : i32
      %add3A_59 = arith.constant 75000 : i32
      %add3A_60 = arith.addi %multiple_of3A_42, %add3A_59 : i32
      %add3A_61 = arith.constant 100000 : i32
      %add3A_62 = arith.addi %multiple_of3A_42, %add3A_61 : i32
      %dma_start3A_63 = tpu.memref_slice %arg2[%add3A_44] : memref<3000000xf32, #tpu.memory_space<hbm>> -> memref<25000xf32, #tpu.memory_space<hbm>>
      %dma_start3A_64 = tpu.memref_slice %arg2[%add3A_44] : memref<3000000xf32, #tpu.memory_space<hbm>> -> memref<25000xf32, #tpu.memory_space<hbm>>
      tpu.enqueue_dma source(%dma_start3A_64 : memref<25000xf32, #tpu.memory_space<hbm>>) target(%arg12 : memref<25000xf32, #tpu.memory_space<vmem>>) target_semaphore(%arg16 : memref<!tpu.dma_semaphore, #tpu.memory_space<semaphore_mem>>)
      %dma_wait3A_65 = tpu.memref_slice %arg2[%add3A_44] : memref<3000000xf32, #tpu.memory_space<hbm>> -> memref<25000xf32, #tpu.memory_space<hbm>>
      %dma_wait3A_66 = tpu.memref_slice %arg2[%add3A_44] : memref<3000000xf32, #tpu.memory_space<hbm>> -> memref<25000xf32, #tpu.memory_space<hbm>>
      tpu.wait_dma2 semaphore(%arg16 : memref<!tpu.dma_semaphore, #tpu.memory_space<semaphore_mem>>) src(%dma_wait3A_66 : memref<25000xf32, #tpu.memory_space<hbm>>) dst(%arg12 : memref<25000xf32, #tpu.memory_space<vmem>>)
      %dma_start3A_67 = tpu.memref_slice %arg8[%add3A_44] : memref<6000000xf32, #tpu.memory_space<hbm>> -> memref<25000xf32, #tpu.memory_space<hbm>>
      %dma_start3A_68 = tpu.memref_slice %arg8[%add3A_44] : memref<6000000xf32, #tpu.memory_space<hbm>> -> memref<25000xf32, #tpu.memory_space<hbm>>
      tpu.enqueue_dma source(%arg12 : memref<25000xf32, #tpu.memory_space<vmem>>) target(%dma_start3A_68 : memref<25000xf32, #tpu.memory_space<hbm>>) target_semaphore(%arg17 : memref<!tpu.dma_semaphore, #tpu.memory_space<semaphore_mem>>)
      %dma_start3A_69 = tpu.memref_slice %arg2[%add3A_46] : memref<3000000xf32, #tpu.memory_space<hbm>> -> memref<25000xf32, #tpu.memory_space<hbm>>
      %dma_start3A_70 = tpu.memref_slice %arg2[%add3A_46] : memref<3000000xf32, #tpu.memory_space<hbm>> -> memref<25000xf32, #tpu.memory_space<hbm>>
      tpu.enqueue_dma source(%dma_start3A_70 : memref<25000xf32, #tpu.memory_space<hbm>>) target(%arg13 : memref<25000xf32, #tpu.memory_space<vmem>>) target_semaphore(%arg16 : memref<!tpu.dma_semaphore, #tpu.memory_space<semaphore_mem>>)
      %dma_wait3A_71 = tpu.memref_slice %arg2[%add3A_46] : memref<3000000xf32, #tpu.memory_space<hbm>> -> memref<25000xf32, #tpu.memory_space<hbm>>
      %dma_wait3A_72 = tpu.memref_slice %arg2[%add3A_46] : memref<3000000xf32, #tpu.memory_space<hbm>> -> memref<25000xf32, #tpu.memory_space<hbm>>
      tpu.wait_dma2 semaphore(%arg16 : memref<!tpu.dma_semaphore, #tpu.memory_space<semaphore_mem>>) src(%dma_wait3A_72 : memref<25000xf32, #tpu.memory_space<hbm>>) dst(%arg13 : memref<25000xf32, #tpu.memory_space<vmem>>)
      %dma_start3A_73 = tpu.memref_slice %arg8[%add3A_46] : memref<6000000xf32, #tpu.memory_space<hbm>> -> memref<25000xf32, #tpu.memory_space<hbm>>
      %dma_start3A_74 = tpu.memref_slice %arg8[%add3A_46] : memref<6000000xf32, #tpu.memory_space<hbm>> -> memref<25000xf32, #tpu.memory_space<hbm>>
      tpu.enqueue_dma source(%arg13 : memref<25000xf32, #tpu.memory_space<vmem>>) target(%dma_start3A_74 : memref<25000xf32, #tpu.memory_space<hbm>>) target_semaphore(%arg17 : memref<!tpu.dma_semaphore, #tpu.memory_space<semaphore_mem>>)
      %dma_wait3A_75 = tpu.memref_slice %arg8[%add3A_44] : memref<6000000xf32, #tpu.memory_space<hbm>> -> memref<25000xf32, #tpu.memory_space<hbm>>
      %dma_wait3A_76 = tpu.memref_slice %arg8[%add3A_44] : memref<6000000xf32, #tpu.memory_space<hbm>> -> memref<25000xf32, #tpu.memory_space<hbm>>
      tpu.wait_dma2 semaphore(%arg17 : memref<!tpu.dma_semaphore, #tpu.memory_space<semaphore_mem>>) src(%arg12 : memref<25000xf32, #tpu.memory_space<vmem>>) dst(%dma_wait3A_76 : memref<25000xf32, #tpu.memory_space<hbm>>)
      %dma_start3A_77 = tpu.memref_slice %arg2[%add3A_48] : memref<3000000xf32, #tpu.memory_space<hbm>> -> memref<25000xf32, #tpu.memory_space<hbm>>
      %dma_start3A_78 = tpu.memref_slice %arg2[%add3A_48] : memref<3000000xf32, #tpu.memory_space<hbm>> -> memref<25000xf32, #tpu.memory_space<hbm>>
      tpu.enqueue_dma source(%dma_start3A_78 : memref<25000xf32, #tpu.memory_space<hbm>>) target(%arg12 : memref<25000xf32, #tpu.memory_space<vmem>>) target_semaphore(%arg16 : memref<!tpu.dma_semaphore, #tpu.memory_space<semaphore_mem>>)
      %dma_wait3A_79 = tpu.memref_slice %arg2[%add3A_48] : memref<3000000xf32, #tpu.memory_space<hbm>> -> memref<25000xf32, #tpu.memory_space<hbm>>
      %dma_wait3A_80 = tpu.memref_slice %arg2[%add3A_48] : memref<3000000xf32, #tpu.memory_space<hbm>> -> memref<25000xf32, #tpu.memory_space<hbm>>
      tpu.wait_dma2 semaphore(%arg16 : memref<!tpu.dma_semaphore, #tpu.memory_space<semaphore_mem>>) src(%dma_wait3A_80 : memref<25000xf32, #tpu.memory_space<hbm>>) dst(%arg12 : memref<25000xf32, #tpu.memory_space<vmem>>)
      %dma_start3A_81 = tpu.memref_slice %arg8[%add3A_48] : memref<6000000xf32, #tpu.memory_space<hbm>> -> memref<25000xf32, #tpu.memory_space<hbm>>
      %dma_start3A_82 = tpu.memref_slice %arg8[%add3A_48] : memref<6000000xf32, #tpu.memory_space<hbm>> -> memref<25000xf32, #tpu.memory_space<hbm>>
      tpu.enqueue_dma source(%arg12 : memref<25000xf32, #tpu.memory_space<vmem>>) target(%dma_start3A_82 : memref<25000xf32, #tpu.memory_space<hbm>>) target_semaphore(%arg17 : memref<!tpu.dma_semaphore, #tpu.memory_space<semaphore_mem>>)
      %dma_wait3A_83 = tpu.memref_slice %arg8[%add3A_46] : memref<6000000xf32, #tpu.memory_space<hbm>> -> memref<25000xf32, #tpu.memory_space<hbm>>
      %dma_wait3A_84 = tpu.memref_slice %arg8[%add3A_46] : memref<6000000xf32, #tpu.memory_space<hbm>> -> memref<25000xf32, #tpu.memory_space<hbm>>
      tpu.wait_dma2 semaphore(%arg17 : memref<!tpu.dma_semaphore, #tpu.memory_space<semaphore_mem>>) src(%arg13 : memref<25000xf32, #tpu.memory_space<vmem>>) dst(%dma_wait3A_84 : memref<25000xf32, #tpu.memory_space<hbm>>)
      %dma_start3A_85 = tpu.memref_slice %arg2[%add3A_50] : memref<3000000xf32, #tpu.memory_space<hbm>> -> memref<25000xf32, #tpu.memory_space<hbm>>
      %dma_start3A_86 = tpu.memref_slice %arg2[%add3A_50] : memref<3000000xf32, #tpu.memory_space<hbm>> -> memref<25000xf32, #tpu.memory_space<hbm>>
      tpu.enqueue_dma source(%dma_start3A_86 : memref<25000xf32, #tpu.memory_space<hbm>>) target(%arg13 : memref<25000xf32, #tpu.memory_space<vmem>>) target_semaphore(%arg16 : memref<!tpu.dma_semaphore, #tpu.memory_space<semaphore_mem>>)
      %dma_wait3A_87 = tpu.memref_slice %arg2[%add3A_50] : memref<3000000xf32, #tpu.memory_space<hbm>> -> memref<25000xf32, #tpu.memory_space<hbm>>
      %dma_wait3A_88 = tpu.memref_slice %arg2[%add3A_50] : memref<3000000xf32, #tpu.memory_space<hbm>> -> memref<25000xf32, #tpu.memory_space<hbm>>
      tpu.wait_dma2 semaphore(%arg16 : memref<!tpu.dma_semaphore, #tpu.memory_space<semaphore_mem>>) src(%dma_wait3A_88 : memref<25000xf32, #tpu.memory_space<hbm>>) dst(%arg13 : memref<25000xf32, #tpu.memory_space<vmem>>)
      %dma_start3A_89 = tpu.memref_slice %arg8[%add3A_50] : memref<6000000xf32, #tpu.memory_space<hbm>> -> memref<25000xf32, #tpu.memory_space<hbm>>
      %dma_start3A_90 = tpu.memref_slice %arg8[%add3A_50] : memref<6000000xf32, #tpu.memory_space<hbm>> -> memref<25000xf32, #tpu.memory_space<hbm>>
      tpu.enqueue_dma source(%arg13 : memref<25000xf32, #tpu.memory_space<vmem>>) target(%dma_start3A_90 : memref<25000xf32, #tpu.memory_space<hbm>>) target_semaphore(%arg17 : memref<!tpu.dma_semaphore, #tpu.memory_space<semaphore_mem>>)
      %dma_wait3A_91 = tpu.memref_slice %arg8[%add3A_48] : memref<6000000xf32, #tpu.memory_space<hbm>> -> memref<25000xf32, #tpu.memory_space<hbm>>
      %dma_wait3A_92 = tpu.memref_slice %arg8[%add3A_48] : memref<6000000xf32, #tpu.memory_space<hbm>> -> memref<25000xf32, #tpu.memory_space<hbm>>
      tpu.wait_dma2 semaphore(%arg17 : memref<!tpu.dma_semaphore, #tpu.memory_space<semaphore_mem>>) src(%arg12 : memref<25000xf32, #tpu.memory_space<vmem>>) dst(%dma_wait3A_92 : memref<25000xf32, #tpu.memory_space<hbm>>)
      %dma_start3A_93 = tpu.memref_slice %arg2[%add3A_52] : memref<3000000xf32, #tpu.memory_space<hbm>> -> memref<25000xf32, #tpu.memory_space<hbm>>
      %dma_start3A_94 = tpu.memref_slice %arg2[%add3A_52] : memref<3000000xf32, #tpu.memory_space<hbm>> -> memref<25000xf32, #tpu.memory_space<hbm>>
      tpu.enqueue_dma source(%dma_start3A_94 : memref<25000xf32, #tpu.memory_space<hbm>>) target(%arg12 : memref<25000xf32, #tpu.memory_space<vmem>>) target_semaphore(%arg16 : memref<!tpu.dma_semaphore, #tpu.memory_space<semaphore_mem>>)
      %dma_wait3A_95 = tpu.memref_slice %arg2[%add3A_52] : memref<3000000xf32, #tpu.memory_space<hbm>> -> memref<25000xf32, #tpu.memory_space<hbm>>
      %dma_wait3A_96 = tpu.memref_slice %arg2[%add3A_52] : memref<3000000xf32, #tpu.memory_space<hbm>> -> memref<25000xf32, #tpu.memory_space<hbm>>
      tpu.wait_dma2 semaphore(%arg16 : memref<!tpu.dma_semaphore, #tpu.memory_space<semaphore_mem>>) src(%dma_wait3A_96 : memref<25000xf32, #tpu.memory_space<hbm>>) dst(%arg12 : memref<25000xf32, #tpu.memory_space<vmem>>)
      %dma_start3A_97 = tpu.memref_slice %arg8[%add3A_52] : memref<6000000xf32, #tpu.memory_space<hbm>> -> memref<25000xf32, #tpu.memory_space<hbm>>
      %dma_start3A_98 = tpu.memref_slice %arg8[%add3A_52] : memref<6000000xf32, #tpu.memory_space<hbm>> -> memref<25000xf32, #tpu.memory_space<hbm>>
      tpu.enqueue_dma source(%arg12 : memref<25000xf32, #tpu.memory_space<vmem>>) target(%dma_start3A_98 : memref<25000xf32, #tpu.memory_space<hbm>>) target_semaphore(%arg17 : memref<!tpu.dma_semaphore, #tpu.memory_space<semaphore_mem>>)
      %dma_wait3A_99 = tpu.memref_slice %arg8[%add3A_50] : memref<6000000xf32, #tpu.memory_space<hbm>> -> memref<25000xf32, #tpu.memory_space<hbm>>
      %dma_wait3A_100 = tpu.memref_slice %arg8[%add3A_50] : memref<6000000xf32, #tpu.memory_space<hbm>> -> memref<25000xf32, #tpu.memory_space<hbm>>
      tpu.wait_dma2 semaphore(%arg17 : memref<!tpu.dma_semaphore, #tpu.memory_space<semaphore_mem>>) src(%arg13 : memref<25000xf32, #tpu.memory_space<vmem>>) dst(%dma_wait3A_100 : memref<25000xf32, #tpu.memory_space<hbm>>)
      %dma_start3A_101 = tpu.memref_slice %arg6[%add3A_54] : memref<6000000xf32, #tpu.memory_space<hbm>> -> memref<25000xf32, #tpu.memory_space<hbm>>
      %dma_start3A_102 = tpu.memref_slice %arg6[%add3A_54] : memref<6000000xf32, #tpu.memory_space<hbm>> -> memref<25000xf32, #tpu.memory_space<hbm>>
      tpu.enqueue_dma source(%dma_start3A_102 : memref<25000xf32, #tpu.memory_space<hbm>>) target(%arg13 : memref<25000xf32, #tpu.memory_space<vmem>>) target_semaphore(%arg16 : memref<!tpu.dma_semaphore, #tpu.memory_space<semaphore_mem>>)
      %dma_wait3A_103 = tpu.memref_slice %arg6[%add3A_54] : memref<6000000xf32, #tpu.memory_space<hbm>> -> memref<25000xf32, #tpu.memory_space<hbm>>
      %dma_wait3A_104 = tpu.memref_slice %arg6[%add3A_54] : memref<6000000xf32, #tpu.memory_space<hbm>> -> memref<25000xf32, #tpu.memory_space<hbm>>
      tpu.wait_dma2 semaphore(%arg16 : memref<!tpu.dma_semaphore, #tpu.memory_space<semaphore_mem>>) src(%dma_wait3A_104 : memref<25000xf32, #tpu.memory_space<hbm>>) dst(%arg13 : memref<25000xf32, #tpu.memory_space<vmem>>)
      %dma_start3A_105 = tpu.memref_slice %arg8[%add3A_54] : memref<6000000xf32, #tpu.memory_space<hbm>> -> memref<25000xf32, #tpu.memory_space<hbm>>
      %dma_start3A_106 = tpu.memref_slice %arg8[%add3A_54] : memref<6000000xf32, #tpu.memory_space<hbm>> -> memref<25000xf32, #tpu.memory_space<hbm>>
      tpu.enqueue_dma source(%arg13 : memref<25000xf32, #tpu.memory_space<vmem>>) target(%dma_start3A_106 : memref<25000xf32, #tpu.memory_space<hbm>>) target_semaphore(%arg17 : memref<!tpu.dma_semaphore, #tpu.memory_space<semaphore_mem>>)
      %dma_wait3A_107 = tpu.memref_slice %arg8[%add3A_52] : memref<6000000xf32, #tpu.memory_space<hbm>> -> memref<25000xf32, #tpu.memory_space<hbm>>
      %dma_wait3A_108 = tpu.memref_slice %arg8[%add3A_52] : memref<6000000xf32, #tpu.memory_space<hbm>> -> memref<25000xf32, #tpu.memory_space<hbm>>
      tpu.wait_dma2 semaphore(%arg17 : memref<!tpu.dma_semaphore, #tpu.memory_space<semaphore_mem>>) src(%arg12 : memref<25000xf32, #tpu.memory_space<vmem>>) dst(%dma_wait3A_108 : memref<25000xf32, #tpu.memory_space<hbm>>)
      %dma_start3A_109 = tpu.memref_slice %arg6[%add3A_56] : memref<6000000xf32, #tpu.memory_space<hbm>> -> memref<25000xf32, #tpu.memory_space<hbm>>
      %dma_start3A_110 = tpu.memref_slice %arg6[%add3A_56] : memref<6000000xf32, #tpu.memory_space<hbm>> -> memref<25000xf32, #tpu.memory_space<hbm>>
      tpu.enqueue_dma source(%dma_start3A_110 : memref<25000xf32, #tpu.memory_space<hbm>>) target(%arg12 : memref<25000xf32, #tpu.memory_space<vmem>>) target_semaphore(%arg16 : memref<!tpu.dma_semaphore, #tpu.memory_space<semaphore_mem>>)
      %dma_wait3A_111 = tpu.memref_slice %arg6[%add3A_56] : memref<6000000xf32, #tpu.memory_space<hbm>> -> memref<25000xf32, #tpu.memory_space<hbm>>
      %dma_wait3A_112 = tpu.memref_slice %arg6[%add3A_56] : memref<6000000xf32, #tpu.memory_space<hbm>> -> memref<25000xf32, #tpu.memory_space<hbm>>
      tpu.wait_dma2 semaphore(%arg16 : memref<!tpu.dma_semaphore, #tpu.memory_space<semaphore_mem>>) src(%dma_wait3A_112 : memref<25000xf32, #tpu.memory_space<hbm>>) dst(%arg12 : memref<25000xf32, #tpu.memory_space<vmem>>)
      %dma_start3A_113 = tpu.memref_slice %arg8[%add3A_56] : memref<6000000xf32, #tpu.memory_space<hbm>> -> memref<25000xf32, #tpu.memory_space<hbm>>
      %dma_start3A_114 = tpu.memref_slice %arg8[%add3A_56] : memref<6000000xf32, #tpu.memory_space<hbm>> -> memref<25000xf32, #tpu.memory_space<hbm>>
      tpu.enqueue_dma source(%arg12 : memref<25000xf32, #tpu.memory_space<vmem>>) target(%dma_start3A_114 : memref<25000xf32, #tpu.memory_space<hbm>>) target_semaphore(%arg17 : memref<!tpu.dma_semaphore, #tpu.memory_space<semaphore_mem>>)
      %dma_wait3A_115 = tpu.memref_slice %arg8[%add3A_54] : memref<6000000xf32, #tpu.memory_space<hbm>> -> memref<25000xf32, #tpu.memory_space<hbm>>
      %dma_wait3A_116 = tpu.memref_slice %arg8[%add3A_54] : memref<6000000xf32, #tpu.memory_space<hbm>> -> memref<25000xf32, #tpu.memory_space<hbm>>
      tpu.wait_dma2 semaphore(%arg17 : memref<!tpu.dma_semaphore, #tpu.memory_space<semaphore_mem>>) src(%arg13 : memref<25000xf32, #tpu.memory_space<vmem>>) dst(%dma_wait3A_116 : memref<25000xf32, #tpu.memory_space<hbm>>)
      %dma_start3A_117 = tpu.memref_slice %arg6[%add3A_58] : memref<6000000xf32, #tpu.memory_space<hbm>> -> memref<25000xf32, #tpu.memory_space<hbm>>
      %dma_start3A_118 = tpu.memref_slice %arg6[%add3A_58] : memref<6000000xf32, #tpu.memory_space<hbm>> -> memref<25000xf32, #tpu.memory_space<hbm>>
      tpu.enqueue_dma source(%dma_start3A_118 : memref<25000xf32, #tpu.memory_space<hbm>>) target(%arg13 : memref<25000xf32, #tpu.memory_space<vmem>>) target_semaphore(%arg16 : memref<!tpu.dma_semaphore, #tpu.memory_space<semaphore_mem>>)
      %dma_wait3A_119 = tpu.memref_slice %arg6[%add3A_58] : memref<6000000xf32, #tpu.memory_space<hbm>> -> memref<25000xf32, #tpu.memory_space<hbm>>
      %dma_wait3A_120 = tpu.memref_slice %arg6[%add3A_58] : memref<6000000xf32, #tpu.memory_space<hbm>> -> memref<25000xf32, #tpu.memory_space<hbm>>
      tpu.wait_dma2 semaphore(%arg16 : memref<!tpu.dma_semaphore, #tpu.memory_space<semaphore_mem>>) src(%dma_wait3A_120 : memref<25000xf32, #tpu.memory_space<hbm>>) dst(%arg13 : memref<25000xf32, #tpu.memory_space<vmem>>)
      %dma_start3A_121 = tpu.memref_slice %arg8[%add3A_58] : memref<6000000xf32, #tpu.memory_space<hbm>> -> memref<25000xf32, #tpu.memory_space<hbm>>
      %dma_start3A_122 = tpu.memref_slice %arg8[%add3A_58] : memref<6000000xf32, #tpu.memory_space<hbm>> -> memref<25000xf32, #tpu.memory_space<hbm>>
      tpu.enqueue_dma source(%arg13 : memref<25000xf32, #tpu.memory_space<vmem>>) target(%dma_start3A_122 : memref<25000xf32, #tpu.memory_space<hbm>>) target_semaphore(%arg17 : memref<!tpu.dma_semaphore, #tpu.memory_space<semaphore_mem>>)
      %dma_wait3A_123 = tpu.memref_slice %arg8[%add3A_56] : memref<6000000xf32, #tpu.memory_space<hbm>> -> memref<25000xf32, #tpu.memory_space<hbm>>
      %dma_wait3A_124 = tpu.memref_slice %arg8[%add3A_56] : memref<6000000xf32, #tpu.memory_space<hbm>> -> memref<25000xf32, #tpu.memory_space<hbm>>
      tpu.wait_dma2 semaphore(%arg17 : memref<!tpu.dma_semaphore, #tpu.memory_space<semaphore_mem>>) src(%arg12 : memref<25000xf32, #tpu.memory_space<vmem>>) dst(%dma_wait3A_124 : memref<25000xf32, #tpu.memory_space<hbm>>)
      %dma_start3A_125 = tpu.memref_slice %arg6[%add3A_60] : memref<6000000xf32, #tpu.memory_space<hbm>> -> memref<25000xf32, #tpu.memory_space<hbm>>
      %dma_start3A_126 = tpu.memref_slice %arg6[%add3A_60] : memref<6000000xf32, #tpu.memory_space<hbm>> -> memref<25000xf32, #tpu.memory_space<hbm>>
      tpu.enqueue_dma source(%dma_start3A_126 : memref<25000xf32, #tpu.memory_space<hbm>>) target(%arg12 : memref<25000xf32, #tpu.memory_space<vmem>>) target_semaphore(%arg16 : memref<!tpu.dma_semaphore, #tpu.memory_space<semaphore_mem>>)
      %dma_wait3A_127 = tpu.memref_slice %arg6[%add3A_60] : memref<6000000xf32, #tpu.memory_space<hbm>> -> memref<25000xf32, #tpu.memory_space<hbm>>
      %dma_wait3A_128 = tpu.memref_slice %arg6[%add3A_60] : memref<6000000xf32, #tpu.memory_space<hbm>> -> memref<25000xf32, #tpu.memory_space<hbm>>
      tpu.wait_dma2 semaphore(%arg16 : memref<!tpu.dma_semaphore, #tpu.memory_space<semaphore_mem>>) src(%dma_wait3A_128 : memref<25000xf32, #tpu.memory_space<hbm>>) dst(%arg12 : memref<25000xf32, #tpu.memory_space<vmem>>)
      %dma_start3A_129 = tpu.memref_slice %arg8[%add3A_60] : memref<6000000xf32, #tpu.memory_space<hbm>> -> memref<25000xf32, #tpu.memory_space<hbm>>
      %dma_start3A_130 = tpu.memref_slice %arg8[%add3A_60] : memref<6000000xf32, #tpu.memory_space<hbm>> -> memref<25000xf32, #tpu.memory_space<hbm>>
      tpu.enqueue_dma source(%arg12 : memref<25000xf32, #tpu.memory_space<vmem>>) target(%dma_start3A_130 : memref<25000xf32, #tpu.memory_space<hbm>>) target_semaphore(%arg17 : memref<!tpu.dma_semaphore, #tpu.memory_space<semaphore_mem>>)
      %dma_wait3A_131 = tpu.memref_slice %arg8[%add3A_58] : memref<6000000xf32, #tpu.memory_space<hbm>> -> memref<25000xf32, #tpu.memory_space<hbm>>
      %dma_wait3A_132 = tpu.memref_slice %arg8[%add3A_58] : memref<6000000xf32, #tpu.memory_space<hbm>> -> memref<25000xf32, #tpu.memory_space<hbm>>
      tpu.wait_dma2 semaphore(%arg17 : memref<!tpu.dma_semaphore, #tpu.memory_space<semaphore_mem>>) src(%arg13 : memref<25000xf32, #tpu.memory_space<vmem>>) dst(%dma_wait3A_132 : memref<25000xf32, #tpu.memory_space<hbm>>)
      %dma_start3A_133 = tpu.memref_slice %arg6[%add3A_62] : memref<6000000xf32, #tpu.memory_space<hbm>> -> memref<25000xf32, #tpu.memory_space<hbm>>
      %dma_start3A_134 = tpu.memref_slice %arg6[%add3A_62] : memref<6000000xf32, #tpu.memory_space<hbm>> -> memref<25000xf32, #tpu.memory_space<hbm>>
      tpu.enqueue_dma source(%dma_start3A_134 : memref<25000xf32, #tpu.memory_space<hbm>>) target(%arg13 : memref<25000xf32, #tpu.memory_space<vmem>>) target_semaphore(%arg16 : memref<!tpu.dma_semaphore, #tpu.memory_space<semaphore_mem>>)
      %dma_wait3A_135 = tpu.memref_slice %arg6[%add3A_62] : memref<6000000xf32, #tpu.memory_space<hbm>> -> memref<25000xf32, #tpu.memory_space<hbm>>
      %dma_wait3A_136 = tpu.memref_slice %arg6[%add3A_62] : memref<6000000xf32, #tpu.memory_space<hbm>> -> memref<25000xf32, #tpu.memory_space<hbm>>
      tpu.wait_dma2 semaphore(%arg16 : memref<!tpu.dma_semaphore, #tpu.memory_space<semaphore_mem>>) src(%dma_wait3A_136 : memref<25000xf32, #tpu.memory_space<hbm>>) dst(%arg13 : memref<25000xf32, #tpu.memory_space<vmem>>)
      %dma_start3A_137 = tpu.memref_slice %arg8[%add3A_62] : memref<6000000xf32, #tpu.memory_space<hbm>> -> memref<25000xf32, #tpu.memory_space<hbm>>
      %dma_start3A_138 = tpu.memref_slice %arg8[%add3A_62] : memref<6000000xf32, #tpu.memory_space<hbm>> -> memref<25000xf32, #tpu.memory_space<hbm>>
      tpu.enqueue_dma source(%arg13 : memref<25000xf32, #tpu.memory_space<vmem>>) target(%dma_start3A_138 : memref<25000xf32, #tpu.memory_space<hbm>>) target_semaphore(%arg17 : memref<!tpu.dma_semaphore, #tpu.memory_space<semaphore_mem>>)
      %dma_wait3A_139 = tpu.memref_slice %arg8[%add3A_60] : memref<6000000xf32, #tpu.memory_space<hbm>> -> memref<25000xf32, #tpu.memory_space<hbm>>
      %dma_wait3A_140 = tpu.memref_slice %arg8[%add3A_60] : memref<6000000xf32, #tpu.memory_space<hbm>> -> memref<25000xf32, #tpu.memory_space<hbm>>
      tpu.wait_dma2 semaphore(%arg17 : memref<!tpu.dma_semaphore, #tpu.memory_space<semaphore_mem>>) src(%arg12 : memref<25000xf32, #tpu.memory_space<vmem>>) dst(%dma_wait3A_140 : memref<25000xf32, #tpu.memory_space<hbm>>)
      %dma_wait3A_141 = tpu.memref_slice %arg8[%add3A_62] : memref<6000000xf32, #tpu.memory_space<hbm>> -> memref<25000xf32, #tpu.memory_space<hbm>>
      %dma_wait3A_142 = tpu.memref_slice %arg8[%add3A_62] : memref<6000000xf32, #tpu.memory_space<hbm>> -> memref<25000xf32, #tpu.memory_space<hbm>>
      tpu.wait_dma2 semaphore(%arg17 : memref<!tpu.dma_semaphore, #tpu.memory_space<semaphore_mem>>) src(%arg13 : memref<25000xf32, #tpu.memory_space<vmem>>) dst(%dma_wait3A_142 : memref<25000xf32, #tpu.memory_space<hbm>>)
    } else {
    }
    %ge3A = arith.constant 24 : i32
    %ge3A_31 = arith.cmpi sge, %add3A, %ge3A : i32
    %convert_element_type3A_32 = arith.extui %ge3A_31 : i1 to i32
    %cond3A_33 = arith.constant 0 : i32
    %cond3A_34 = arith.cmpi ne, %convert_element_type3A_32, %cond3A_33 : i32
    scf.if %cond3A_34 {
      %sub3A = arith.constant 24 : i32
      %sub3A_35 = arith.subi %add3A, %sub3A : i32
      %mul3A_36 = arith.constant 125000 : i32
      %mul3A_37 = arith.muli %sub3A_35, %mul3A_36 : i32
      %multiple_of3A_38 = tpu.assume_multiple %mul3A_37, 8 : i32
      %mul3A_39 = arith.constant 125000 : i32
      %mul3A_40 = arith.muli %sub3A_35, %mul3A_39 : i32
      %add3A_41 = arith.constant 1000000 : i32
      %add3A_42 = arith.addi %add3A_41, %mul3A_40 : i32
      %multiple_of3A_43 = tpu.assume_multiple %add3A_42, 8 : i32
      %add3A_44 = arith.constant 0 : i32
      %add3A_45 = arith.addi %multiple_of3A_38, %add3A_44 : i32
      %add3A_46 = arith.constant 25000 : i32
      %add3A_47 = arith.addi %multiple_of3A_38, %add3A_46 : i32
      %add3A_48 = arith.constant 50000 : i32
      %add3A_49 = arith.addi %multiple_of3A_38, %add3A_48 : i32
      %add3A_50 = arith.constant 75000 : i32
      %add3A_51 = arith.addi %multiple_of3A_38, %add3A_50 : i32
      %add3A_52 = arith.constant 100000 : i32
      %add3A_53 = arith.addi %multiple_of3A_38, %add3A_52 : i32
      %add3A_54 = arith.constant 0 : i32
      %add3A_55 = arith.addi %multiple_of3A_43, %add3A_54 : i32
      %add3A_56 = arith.constant 25000 : i32
      %add3A_57 = arith.addi %multiple_of3A_43, %add3A_56 : i32
      %add3A_58 = arith.constant 50000 : i32
      %add3A_59 = arith.addi %multiple_of3A_43, %add3A_58 : i32
      %add3A_60 = arith.constant 75000 : i32
      %add3A_61 = arith.addi %multiple_of3A_43, %add3A_60 : i32
      %add3A_62 = arith.constant 100000 : i32
      %add3A_63 = arith.addi %multiple_of3A_43, %add3A_62 : i32
      %dma_start3A_64 = tpu.memref_slice %arg4[%add3A_45] : memref<1000000xi32, #tpu.memory_space<hbm>> -> memref<25000xi32, #tpu.memory_space<hbm>>
      %dma_start3A_65 = tpu.memref_slice %arg4[%add3A_45] : memref<1000000xi32, #tpu.memory_space<hbm>> -> memref<25000xi32, #tpu.memory_space<hbm>>
      tpu.enqueue_dma source(%dma_start3A_65 : memref<25000xi32, #tpu.memory_space<hbm>>) target(%arg14 : memref<25000xi32, #tpu.memory_space<vmem>>) target_semaphore(%arg16 : memref<!tpu.dma_semaphore, #tpu.memory_space<semaphore_mem>>)
      %dma_wait3A_66 = tpu.memref_slice %arg4[%add3A_45] : memref<1000000xi32, #tpu.memory_space<hbm>> -> memref<25000xi32, #tpu.memory_space<hbm>>
      %dma_wait3A_67 = tpu.memref_slice %arg4[%add3A_45] : memref<1000000xi32, #tpu.memory_space<hbm>> -> memref<25000xi32, #tpu.memory_space<hbm>>
      tpu.wait_dma2 semaphore(%arg16 : memref<!tpu.dma_semaphore, #tpu.memory_space<semaphore_mem>>) src(%dma_wait3A_67 : memref<25000xi32, #tpu.memory_space<hbm>>) dst(%arg14 : memref<25000xi32, #tpu.memory_space<vmem>>)
      %dma_start3A_68 = tpu.memref_slice %arg10[%add3A_45] : memref<2000000xi32, #tpu.memory_space<hbm>> -> memref<25000xi32, #tpu.memory_space<hbm>>
      %dma_start3A_69 = tpu.memref_slice %arg10[%add3A_45] : memref<2000000xi32, #tpu.memory_space<hbm>> -> memref<25000xi32, #tpu.memory_space<hbm>>
      tpu.enqueue_dma source(%arg14 : memref<25000xi32, #tpu.memory_space<vmem>>) target(%dma_start3A_69 : memref<25000xi32, #tpu.memory_space<hbm>>) target_semaphore(%arg17 : memref<!tpu.dma_semaphore, #tpu.memory_space<semaphore_mem>>)
      %dma_start3A_70 = tpu.memref_slice %arg4[%add3A_47] : memref<1000000xi32, #tpu.memory_space<hbm>> -> memref<25000xi32, #tpu.memory_space<hbm>>
      %dma_start3A_71 = tpu.memref_slice %arg4[%add3A_47] : memref<1000000xi32, #tpu.memory_space<hbm>> -> memref<25000xi32, #tpu.memory_space<hbm>>
      tpu.enqueue_dma source(%dma_start3A_71 : memref<25000xi32, #tpu.memory_space<hbm>>) target(%arg15 : memref<25000xi32, #tpu.memory_space<vmem>>) target_semaphore(%arg16 : memref<!tpu.dma_semaphore, #tpu.memory_space<semaphore_mem>>)
      %dma_wait3A_72 = tpu.memref_slice %arg4[%add3A_47] : memref<1000000xi32, #tpu.memory_space<hbm>> -> memref<25000xi32, #tpu.memory_space<hbm>>
      %dma_wait3A_73 = tpu.memref_slice %arg4[%add3A_47] : memref<1000000xi32, #tpu.memory_space<hbm>> -> memref<25000xi32, #tpu.memory_space<hbm>>
      tpu.wait_dma2 semaphore(%arg16 : memref<!tpu.dma_semaphore, #tpu.memory_space<semaphore_mem>>) src(%dma_wait3A_73 : memref<25000xi32, #tpu.memory_space<hbm>>) dst(%arg15 : memref<25000xi32, #tpu.memory_space<vmem>>)
      %dma_start3A_74 = tpu.memref_slice %arg10[%add3A_47] : memref<2000000xi32, #tpu.memory_space<hbm>> -> memref<25000xi32, #tpu.memory_space<hbm>>
      %dma_start3A_75 = tpu.memref_slice %arg10[%add3A_47] : memref<2000000xi32, #tpu.memory_space<hbm>> -> memref<25000xi32, #tpu.memory_space<hbm>>
      tpu.enqueue_dma source(%arg15 : memref<25000xi32, #tpu.memory_space<vmem>>) target(%dma_start3A_75 : memref<25000xi32, #tpu.memory_space<hbm>>) target_semaphore(%arg17 : memref<!tpu.dma_semaphore, #tpu.memory_space<semaphore_mem>>)
      %dma_wait3A_76 = tpu.memref_slice %arg10[%add3A_45] : memref<2000000xi32, #tpu.memory_space<hbm>> -> memref<25000xi32, #tpu.memory_space<hbm>>
      %dma_wait3A_77 = tpu.memref_slice %arg10[%add3A_45] : memref<2000000xi32, #tpu.memory_space<hbm>> -> memref<25000xi32, #tpu.memory_space<hbm>>
      tpu.wait_dma2 semaphore(%arg17 : memref<!tpu.dma_semaphore, #tpu.memory_space<semaphore_mem>>) src(%arg14 : memref<25000xi32, #tpu.memory_space<vmem>>) dst(%dma_wait3A_77 : memref<25000xi32, #tpu.memory_space<hbm>>)
      %dma_start3A_78 = tpu.memref_slice %arg4[%add3A_49] : memref<1000000xi32, #tpu.memory_space<hbm>> -> memref<25000xi32, #tpu.memory_space<hbm>>
      %dma_start3A_79 = tpu.memref_slice %arg4[%add3A_49] : memref<1000000xi32, #tpu.memory_space<hbm>> -> memref<25000xi32, #tpu.memory_space<hbm>>
      tpu.enqueue_dma source(%dma_start3A_79 : memref<25000xi32, #tpu.memory_space<hbm>>) target(%arg14 : memref<25000xi32, #tpu.memory_space<vmem>>) target_semaphore(%arg16 : memref<!tpu.dma_semaphore, #tpu.memory_space<semaphore_mem>>)
      %dma_wait3A_80 = tpu.memref_slice %arg4[%add3A_49] : memref<1000000xi32, #tpu.memory_space<hbm>> -> memref<25000xi32, #tpu.memory_space<hbm>>
      %dma_wait3A_81 = tpu.memref_slice %arg4[%add3A_49] : memref<1000000xi32, #tpu.memory_space<hbm>> -> memref<25000xi32, #tpu.memory_space<hbm>>
      tpu.wait_dma2 semaphore(%arg16 : memref<!tpu.dma_semaphore, #tpu.memory_space<semaphore_mem>>) src(%dma_wait3A_81 : memref<25000xi32, #tpu.memory_space<hbm>>) dst(%arg14 : memref<25000xi32, #tpu.memory_space<vmem>>)
      %dma_start3A_82 = tpu.memref_slice %arg10[%add3A_49] : memref<2000000xi32, #tpu.memory_space<hbm>> -> memref<25000xi32, #tpu.memory_space<hbm>>
      %dma_start3A_83 = tpu.memref_slice %arg10[%add3A_49] : memref<2000000xi32, #tpu.memory_space<hbm>> -> memref<25000xi32, #tpu.memory_space<hbm>>
      tpu.enqueue_dma source(%arg14 : memref<25000xi32, #tpu.memory_space<vmem>>) target(%dma_start3A_83 : memref<25000xi32, #tpu.memory_space<hbm>>) target_semaphore(%arg17 : memref<!tpu.dma_semaphore, #tpu.memory_space<semaphore_mem>>)
      %dma_wait3A_84 = tpu.memref_slice %arg10[%add3A_47] : memref<2000000xi32, #tpu.memory_space<hbm>> -> memref<25000xi32, #tpu.memory_space<hbm>>
      %dma_wait3A_85 = tpu.memref_slice %arg10[%add3A_47] : memref<2000000xi32, #tpu.memory_space<hbm>> -> memref<25000xi32, #tpu.memory_space<hbm>>
      tpu.wait_dma2 semaphore(%arg17 : memref<!tpu.dma_semaphore, #tpu.memory_space<semaphore_mem>>) src(%arg15 : memref<25000xi32, #tpu.memory_space<vmem>>) dst(%dma_wait3A_85 : memref<25000xi32, #tpu.memory_space<hbm>>)
      %dma_start3A_86 = tpu.memref_slice %arg4[%add3A_51] : memref<1000000xi32, #tpu.memory_space<hbm>> -> memref<25000xi32, #tpu.memory_space<hbm>>
      %dma_start3A_87 = tpu.memref_slice %arg4[%add3A_51] : memref<1000000xi32, #tpu.memory_space<hbm>> -> memref<25000xi32, #tpu.memory_space<hbm>>
      tpu.enqueue_dma source(%dma_start3A_87 : memref<25000xi32, #tpu.memory_space<hbm>>) target(%arg15 : memref<25000xi32, #tpu.memory_space<vmem>>) target_semaphore(%arg16 : memref<!tpu.dma_semaphore, #tpu.memory_space<semaphore_mem>>)
      %dma_wait3A_88 = tpu.memref_slice %arg4[%add3A_51] : memref<1000000xi32, #tpu.memory_space<hbm>> -> memref<25000xi32, #tpu.memory_space<hbm>>
      %dma_wait3A_89 = tpu.memref_slice %arg4[%add3A_51] : memref<1000000xi32, #tpu.memory_space<hbm>> -> memref<25000xi32, #tpu.memory_space<hbm>>
      tpu.wait_dma2 semaphore(%arg16 : memref<!tpu.dma_semaphore, #tpu.memory_space<semaphore_mem>>) src(%dma_wait3A_89 : memref<25000xi32, #tpu.memory_space<hbm>>) dst(%arg15 : memref<25000xi32, #tpu.memory_space<vmem>>)
      %dma_start3A_90 = tpu.memref_slice %arg10[%add3A_51] : memref<2000000xi32, #tpu.memory_space<hbm>> -> memref<25000xi32, #tpu.memory_space<hbm>>
      %dma_start3A_91 = tpu.memref_slice %arg10[%add3A_51] : memref<2000000xi32, #tpu.memory_space<hbm>> -> memref<25000xi32, #tpu.memory_space<hbm>>
      tpu.enqueue_dma source(%arg15 : memref<25000xi32, #tpu.memory_space<vmem>>) target(%dma_start3A_91 : memref<25000xi32, #tpu.memory_space<hbm>>) target_semaphore(%arg17 : memref<!tpu.dma_semaphore, #tpu.memory_space<semaphore_mem>>)
      %dma_wait3A_92 = tpu.memref_slice %arg10[%add3A_49] : memref<2000000xi32, #tpu.memory_space<hbm>> -> memref<25000xi32, #tpu.memory_space<hbm>>
      %dma_wait3A_93 = tpu.memref_slice %arg10[%add3A_49] : memref<2000000xi32, #tpu.memory_space<hbm>> -> memref<25000xi32, #tpu.memory_space<hbm>>
      tpu.wait_dma2 semaphore(%arg17 : memref<!tpu.dma_semaphore, #tpu.memory_space<semaphore_mem>>) src(%arg14 : memref<25000xi32, #tpu.memory_space<vmem>>) dst(%dma_wait3A_93 : memref<25000xi32, #tpu.memory_space<hbm>>)
      %dma_start3A_94 = tpu.memref_slice %arg4[%add3A_53] : memref<1000000xi32, #tpu.memory_space<hbm>> -> memref<25000xi32, #tpu.memory_space<hbm>>
      %dma_start3A_95 = tpu.memref_slice %arg4[%add3A_53] : memref<1000000xi32, #tpu.memory_space<hbm>> -> memref<25000xi32, #tpu.memory_space<hbm>>
      tpu.enqueue_dma source(%dma_start3A_95 : memref<25000xi32, #tpu.memory_space<hbm>>) target(%arg14 : memref<25000xi32, #tpu.memory_space<vmem>>) target_semaphore(%arg16 : memref<!tpu.dma_semaphore, #tpu.memory_space<semaphore_mem>>)
      %dma_wait3A_96 = tpu.memref_slice %arg4[%add3A_53] : memref<1000000xi32, #tpu.memory_space<hbm>> -> memref<25000xi32, #tpu.memory_space<hbm>>
      %dma_wait3A_97 = tpu.memref_slice %arg4[%add3A_53] : memref<1000000xi32, #tpu.memory_space<hbm>> -> memref<25000xi32, #tpu.memory_space<hbm>>
      tpu.wait_dma2 semaphore(%arg16 : memref<!tpu.dma_semaphore, #tpu.memory_space<semaphore_mem>>) src(%dma_wait3A_97 : memref<25000xi32, #tpu.memory_space<hbm>>) dst(%arg14 : memref<25000xi32, #tpu.memory_space<vmem>>)
      %dma_start3A_98 = tpu.memref_slice %arg10[%add3A_53] : memref<2000000xi32, #tpu.memory_space<hbm>> -> memref<25000xi32, #tpu.memory_space<hbm>>
      %dma_start3A_99 = tpu.memref_slice %arg10[%add3A_53] : memref<2000000xi32, #tpu.memory_space<hbm>> -> memref<25000xi32, #tpu.memory_space<hbm>>
      tpu.enqueue_dma source(%arg14 : memref<25000xi32, #tpu.memory_space<vmem>>) target(%dma_start3A_99 : memref<25000xi32, #tpu.memory_space<hbm>>) target_semaphore(%arg17 : memref<!tpu.dma_semaphore, #tpu.memory_space<semaphore_mem>>)
      %dma_wait3A_100 = tpu.memref_slice %arg10[%add3A_51] : memref<2000000xi32, #tpu.memory_space<hbm>> -> memref<25000xi32, #tpu.memory_space<hbm>>
      %dma_wait3A_101 = tpu.memref_slice %arg10[%add3A_51] : memref<2000000xi32, #tpu.memory_space<hbm>> -> memref<25000xi32, #tpu.memory_space<hbm>>
      tpu.wait_dma2 semaphore(%arg17 : memref<!tpu.dma_semaphore, #tpu.memory_space<semaphore_mem>>) src(%arg15 : memref<25000xi32, #tpu.memory_space<vmem>>) dst(%dma_wait3A_101 : memref<25000xi32, #tpu.memory_space<hbm>>)
      %dma_start3A_102 = tpu.memref_slice %arg7[%add3A_55] : memref<2000000xi32, #tpu.memory_space<hbm>> -> memref<25000xi32, #tpu.memory_space<hbm>>
      %dma_start3A_103 = tpu.memref_slice %arg7[%add3A_55] : memref<2000000xi32, #tpu.memory_space<hbm>> -> memref<25000xi32, #tpu.memory_space<hbm>>
      tpu.enqueue_dma source(%dma_start3A_103 : memref<25000xi32, #tpu.memory_space<hbm>>) target(%arg15 : memref<25000xi32, #tpu.memory_space<vmem>>) target_semaphore(%arg16 : memref<!tpu.dma_semaphore, #tpu.memory_space<semaphore_mem>>)
      %dma_wait3A_104 = tpu.memref_slice %arg7[%add3A_55] : memref<2000000xi32, #tpu.memory_space<hbm>> -> memref<25000xi32, #tpu.memory_space<hbm>>
      %dma_wait3A_105 = tpu.memref_slice %arg7[%add3A_55] : memref<2000000xi32, #tpu.memory_space<hbm>> -> memref<25000xi32, #tpu.memory_space<hbm>>
      tpu.wait_dma2 semaphore(%arg16 : memref<!tpu.dma_semaphore, #tpu.memory_space<semaphore_mem>>) src(%dma_wait3A_105 : memref<25000xi32, #tpu.memory_space<hbm>>) dst(%arg15 : memref<25000xi32, #tpu.memory_space<vmem>>)
      %dma_start3A_106 = tpu.memref_slice %arg10[%add3A_55] : memref<2000000xi32, #tpu.memory_space<hbm>> -> memref<25000xi32, #tpu.memory_space<hbm>>
      %dma_start3A_107 = tpu.memref_slice %arg10[%add3A_55] : memref<2000000xi32, #tpu.memory_space<hbm>> -> memref<25000xi32, #tpu.memory_space<hbm>>
      tpu.enqueue_dma source(%arg15 : memref<25000xi32, #tpu.memory_space<vmem>>) target(%dma_start3A_107 : memref<25000xi32, #tpu.memory_space<hbm>>) target_semaphore(%arg17 : memref<!tpu.dma_semaphore, #tpu.memory_space<semaphore_mem>>)
      %dma_wait3A_108 = tpu.memref_slice %arg10[%add3A_53] : memref<2000000xi32, #tpu.memory_space<hbm>> -> memref<25000xi32, #tpu.memory_space<hbm>>
      %dma_wait3A_109 = tpu.memref_slice %arg10[%add3A_53] : memref<2000000xi32, #tpu.memory_space<hbm>> -> memref<25000xi32, #tpu.memory_space<hbm>>
      tpu.wait_dma2 semaphore(%arg17 : memref<!tpu.dma_semaphore, #tpu.memory_space<semaphore_mem>>) src(%arg14 : memref<25000xi32, #tpu.memory_space<vmem>>) dst(%dma_wait3A_109 : memref<25000xi32, #tpu.memory_space<hbm>>)
      %dma_start3A_110 = tpu.memref_slice %arg7[%add3A_57] : memref<2000000xi32, #tpu.memory_space<hbm>> -> memref<25000xi32, #tpu.memory_space<hbm>>
      %dma_start3A_111 = tpu.memref_slice %arg7[%add3A_57] : memref<2000000xi32, #tpu.memory_space<hbm>> -> memref<25000xi32, #tpu.memory_space<hbm>>
      tpu.enqueue_dma source(%dma_start3A_111 : memref<25000xi32, #tpu.memory_space<hbm>>) target(%arg14 : memref<25000xi32, #tpu.memory_space<vmem>>) target_semaphore(%arg16 : memref<!tpu.dma_semaphore, #tpu.memory_space<semaphore_mem>>)
      %dma_wait3A_112 = tpu.memref_slice %arg7[%add3A_57] : memref<2000000xi32, #tpu.memory_space<hbm>> -> memref<25000xi32, #tpu.memory_space<hbm>>
      %dma_wait3A_113 = tpu.memref_slice %arg7[%add3A_57] : memref<2000000xi32, #tpu.memory_space<hbm>> -> memref<25000xi32, #tpu.memory_space<hbm>>
      tpu.wait_dma2 semaphore(%arg16 : memref<!tpu.dma_semaphore, #tpu.memory_space<semaphore_mem>>) src(%dma_wait3A_113 : memref<25000xi32, #tpu.memory_space<hbm>>) dst(%arg14 : memref<25000xi32, #tpu.memory_space<vmem>>)
      %dma_start3A_114 = tpu.memref_slice %arg10[%add3A_57] : memref<2000000xi32, #tpu.memory_space<hbm>> -> memref<25000xi32, #tpu.memory_space<hbm>>
      %dma_start3A_115 = tpu.memref_slice %arg10[%add3A_57] : memref<2000000xi32, #tpu.memory_space<hbm>> -> memref<25000xi32, #tpu.memory_space<hbm>>
      tpu.enqueue_dma source(%arg14 : memref<25000xi32, #tpu.memory_space<vmem>>) target(%dma_start3A_115 : memref<25000xi32, #tpu.memory_space<hbm>>) target_semaphore(%arg17 : memref<!tpu.dma_semaphore, #tpu.memory_space<semaphore_mem>>)
      %dma_wait3A_116 = tpu.memref_slice %arg10[%add3A_55] : memref<2000000xi32, #tpu.memory_space<hbm>> -> memref<25000xi32, #tpu.memory_space<hbm>>
      %dma_wait3A_117 = tpu.memref_slice %arg10[%add3A_55] : memref<2000000xi32, #tpu.memory_space<hbm>> -> memref<25000xi32, #tpu.memory_space<hbm>>
      tpu.wait_dma2 semaphore(%arg17 : memref<!tpu.dma_semaphore, #tpu.memory_space<semaphore_mem>>) src(%arg15 : memref<25000xi32, #tpu.memory_space<vmem>>) dst(%dma_wait3A_117 : memref<25000xi32, #tpu.memory_space<hbm>>)
      %dma_start3A_118 = tpu.memref_slice %arg7[%add3A_59] : memref<2000000xi32, #tpu.memory_space<hbm>> -> memref<25000xi32, #tpu.memory_space<hbm>>
      %dma_start3A_119 = tpu.memref_slice %arg7[%add3A_59] : memref<2000000xi32, #tpu.memory_space<hbm>> -> memref<25000xi32, #tpu.memory_space<hbm>>
      tpu.enqueue_dma source(%dma_start3A_119 : memref<25000xi32, #tpu.memory_space<hbm>>) target(%arg15 : memref<25000xi32, #tpu.memory_space<vmem>>) target_semaphore(%arg16 : memref<!tpu.dma_semaphore, #tpu.memory_space<semaphore_mem>>)
      %dma_wait3A_120 = tpu.memref_slice %arg7[%add3A_59] : memref<2000000xi32, #tpu.memory_space<hbm>> -> memref<25000xi32, #tpu.memory_space<hbm>>
      %dma_wait3A_121 = tpu.memref_slice %arg7[%add3A_59] : memref<2000000xi32, #tpu.memory_space<hbm>> -> memref<25000xi32, #tpu.memory_space<hbm>>
      tpu.wait_dma2 semaphore(%arg16 : memref<!tpu.dma_semaphore, #tpu.memory_space<semaphore_mem>>) src(%dma_wait3A_121 : memref<25000xi32, #tpu.memory_space<hbm>>) dst(%arg15 : memref<25000xi32, #tpu.memory_space<vmem>>)
      %dma_start3A_122 = tpu.memref_slice %arg10[%add3A_59] : memref<2000000xi32, #tpu.memory_space<hbm>> -> memref<25000xi32, #tpu.memory_space<hbm>>
      %dma_start3A_123 = tpu.memref_slice %arg10[%add3A_59] : memref<2000000xi32, #tpu.memory_space<hbm>> -> memref<25000xi32, #tpu.memory_space<hbm>>
      tpu.enqueue_dma source(%arg15 : memref<25000xi32, #tpu.memory_space<vmem>>) target(%dma_start3A_123 : memref<25000xi32, #tpu.memory_space<hbm>>) target_semaphore(%arg17 : memref<!tpu.dma_semaphore, #tpu.memory_space<semaphore_mem>>)
      %dma_wait3A_124 = tpu.memref_slice %arg10[%add3A_57] : memref<2000000xi32, #tpu.memory_space<hbm>> -> memref<25000xi32, #tpu.memory_space<hbm>>
      %dma_wait3A_125 = tpu.memref_slice %arg10[%add3A_57] : memref<2000000xi32, #tpu.memory_space<hbm>> -> memref<25000xi32, #tpu.memory_space<hbm>>
      tpu.wait_dma2 semaphore(%arg17 : memref<!tpu.dma_semaphore, #tpu.memory_space<semaphore_mem>>) src(%arg14 : memref<25000xi32, #tpu.memory_space<vmem>>) dst(%dma_wait3A_125 : memref<25000xi32, #tpu.memory_space<hbm>>)
      %dma_start3A_126 = tpu.memref_slice %arg7[%add3A_61] : memref<2000000xi32, #tpu.memory_space<hbm>> -> memref<25000xi32, #tpu.memory_space<hbm>>
      %dma_start3A_127 = tpu.memref_slice %arg7[%add3A_61] : memref<2000000xi32, #tpu.memory_space<hbm>> -> memref<25000xi32, #tpu.memory_space<hbm>>
      tpu.enqueue_dma source(%dma_start3A_127 : memref<25000xi32, #tpu.memory_space<hbm>>) target(%arg14 : memref<25000xi32, #tpu.memory_space<vmem>>) target_semaphore(%arg16 : memref<!tpu.dma_semaphore, #tpu.memory_space<semaphore_mem>>)
      %dma_wait3A_128 = tpu.memref_slice %arg7[%add3A_61] : memref<2000000xi32, #tpu.memory_space<hbm>> -> memref<25000xi32, #tpu.memory_space<hbm>>
      %dma_wait3A_129 = tpu.memref_slice %arg7[%add3A_61] : memref<2000000xi32, #tpu.memory_space<hbm>> -> memref<25000xi32, #tpu.memory_space<hbm>>
      tpu.wait_dma2 semaphore(%arg16 : memref<!tpu.dma_semaphore, #tpu.memory_space<semaphore_mem>>) src(%dma_wait3A_129 : memref<25000xi32, #tpu.memory_space<hbm>>) dst(%arg14 : memref<25000xi32, #tpu.memory_space<vmem>>)
      %dma_start3A_130 = tpu.memref_slice %arg10[%add3A_61] : memref<2000000xi32, #tpu.memory_space<hbm>> -> memref<25000xi32, #tpu.memory_space<hbm>>
      %dma_start3A_131 = tpu.memref_slice %arg10[%add3A_61] : memref<2000000xi32, #tpu.memory_space<hbm>> -> memref<25000xi32, #tpu.memory_space<hbm>>
      tpu.enqueue_dma source(%arg14 : memref<25000xi32, #tpu.memory_space<vmem>>) target(%dma_start3A_131 : memref<25000xi32, #tpu.memory_space<hbm>>) target_semaphore(%arg17 : memref<!tpu.dma_semaphore, #tpu.memory_space<semaphore_mem>>)
      %dma_wait3A_132 = tpu.memref_slice %arg10[%add3A_59] : memref<2000000xi32, #tpu.memory_space<hbm>> -> memref<25000xi32, #tpu.memory_space<hbm>>
      %dma_wait3A_133 = tpu.memref_slice %arg10[%add3A_59] : memref<2000000xi32, #tpu.memory_space<hbm>> -> memref<25000xi32, #tpu.memory_space<hbm>>
      tpu.wait_dma2 semaphore(%arg17 : memref<!tpu.dma_semaphore, #tpu.memory_space<semaphore_mem>>) src(%arg15 : memref<25000xi32, #tpu.memory_space<vmem>>) dst(%dma_wait3A_133 : memref<25000xi32, #tpu.memory_space<hbm>>)
      %dma_start3A_134 = tpu.memref_slice %arg7[%add3A_63] : memref<2000000xi32, #tpu.memory_space<hbm>> -> memref<25000xi32, #tpu.memory_space<hbm>>
      %dma_start3A_135 = tpu.memref_slice %arg7[%add3A_63] : memref<2000000xi32, #tpu.memory_space<hbm>> -> memref<25000xi32, #tpu.memory_space<hbm>>
      tpu.enqueue_dma source(%dma_start3A_135 : memref<25000xi32, #tpu.memory_space<hbm>>) target(%arg15 : memref<25000xi32, #tpu.memory_space<vmem>>) target_semaphore(%arg16 : memref<!tpu.dma_semaphore, #tpu.memory_space<semaphore_mem>>)
      %dma_wait3A_136 = tpu.memref_slice %arg7[%add3A_63] : memref<2000000xi32, #tpu.memory_space<hbm>> -> memref<25000xi32, #tpu.memory_space<hbm>>
      %dma_wait3A_137 = tpu.memref_slice %arg7[%add3A_63] : memref<2000000xi32, #tpu.memory_space<hbm>> -> memref<25000xi32, #tpu.memory_space<hbm>>
      tpu.wait_dma2 semaphore(%arg16 : memref<!tpu.dma_semaphore, #tpu.memory_space<semaphore_mem>>) src(%dma_wait3A_137 : memref<25000xi32, #tpu.memory_space<hbm>>) dst(%arg15 : memref<25000xi32, #tpu.memory_space<vmem>>)
      %dma_start3A_138 = tpu.memref_slice %arg10[%add3A_63] : memref<2000000xi32, #tpu.memory_space<hbm>> -> memref<25000xi32, #tpu.memory_space<hbm>>
      %dma_start3A_139 = tpu.memref_slice %arg10[%add3A_63] : memref<2000000xi32, #tpu.memory_space<hbm>> -> memref<25000xi32, #tpu.memory_space<hbm>>
      tpu.enqueue_dma source(%arg15 : memref<25000xi32, #tpu.memory_space<vmem>>) target(%dma_start3A_139 : memref<25000xi32, #tpu.memory_space<hbm>>) target_semaphore(%arg17 : memref<!tpu.dma_semaphore, #tpu.memory_space<semaphore_mem>>)
      %dma_wait3A_140 = tpu.memref_slice %arg10[%add3A_61] : memref<2000000xi32, #tpu.memory_space<hbm>> -> memref<25000xi32, #tpu.memory_space<hbm>>
      %dma_wait3A_141 = tpu.memref_slice %arg10[%add3A_61] : memref<2000000xi32, #tpu.memory_space<hbm>> -> memref<25000xi32, #tpu.memory_space<hbm>>
      tpu.wait_dma2 semaphore(%arg17 : memref<!tpu.dma_semaphore, #tpu.memory_space<semaphore_mem>>) src(%arg14 : memref<25000xi32, #tpu.memory_space<vmem>>) dst(%dma_wait3A_141 : memref<25000xi32, #tpu.memory_space<hbm>>)
      %dma_wait3A_142 = tpu.memref_slice %arg10[%add3A_63] : memref<2000000xi32, #tpu.memory_space<hbm>> -> memref<25000xi32, #tpu.memory_space<hbm>>
      %dma_wait3A_143 = tpu.memref_slice %arg10[%add3A_63] : memref<2000000xi32, #tpu.memory_space<hbm>> -> memref<25000xi32, #tpu.memory_space<hbm>>
      tpu.wait_dma2 semaphore(%arg17 : memref<!tpu.dma_semaphore, #tpu.memory_space<semaphore_mem>>) src(%arg15 : memref<25000xi32, #tpu.memory_space<vmem>>) dst(%dma_wait3A_143 : memref<25000xi32, #tpu.memory_space<hbm>>)
    } else {
    }
    return
  }
}

</mosaic_0001>

<sc_bundles>
// kernel: _scatter_copy.3.cloned.1.call-start
scs
__scs_entry_jumppad:
0x0: {  	(pc) =	sbr.rel $0x88, $3  }
0x1: {  	(tag) =	ssettag $0x0;
	lr =	simm.s32 $0x1  }
0x2: {  	[smem:$0x3F9B] =	sst lr;
	_ =	strace $0xD0000000  }
0x3: {  	_ = 	snop  }
0x4: {  	_ = 	snop  }
0x5: {  	_ = 	snop  }
0x6: {  	_ = 	snop  }
0x7: {  	_ = 	snop  }
__scs_overlays_trampoline_lowered:
0x8: {  	[smem:$0x3FAA] =	sst s0  }
0x9: {  	[smem:$0x3FAB] =	sst s1  }
0xa: {  	[smem:$0x3FAC] =	sst s2  }
0xb: {  	[smem:$0x3FAD] =	sst s3  }
0xc: {  	[smem:$0x3FAE] =	sst s4  }
0xd: {  	[smem:$0x3FAF] =	sst s5  }
0xe: {  	[smem:$0x3FB0] =	sst s6  }
0xf: {  	[smem:$0x3FB1] =	sst s7  }
0x10: {  	[smem:$0x3FB2] =	sst s8  }
0x11: {  	[smem:$0x3FB3] =	sst s9;
	s0 =	simm.s32 @!p0 $0x0  }
0x12: {  	s1 =	sld [smem:$0x3F99];
	s0 =	simm.s32 @p0 $0x1  }
0x13: {  	[smem:$0x3FB4] =	sst s0;
	s0 =	simm.s32 @!p1 $0x0  }
0x14: {  	s2 =	sld [smem:$0x3F98];
	s0 =	simm.s32 @p1 $0x1  }
0x15: {  	[smem:$0x3FB5] =	sst s0;
	s0 =	simm.s32 @!p2 $0x0  }
0x16: {  	s3 =	sld [smem:$0x3FDB];
	s0 =	simm.s32 @p2 $0x1  }
0x17: {  	s4 =	simm.s32 $0x1BF5;
	[smem:$0x3FB7] =	sst s0  }
0x18: {  	s0 =	sld [smem:$0x3F9A];
	_ =	swait.ge [sflag:s4], $0x0  }
0x19: {  	s7 =	sld [smem:$0x3F9B]  }
0x1a: {  	s8 =	sadd.s32 $0xFFFFE003, lr  }
0x1b: {  	s9 =	sadd.s32 $0xFFFFFEF7, lr;
	s5 =	simm.s32 $0xFFFFFFFF;
	p2 =	slt.u32 s8, $0xFFFFF086  }
0x1c: {  	p1 =	slt.u32 s9, $0xF7A;
	s5 =	simm.s32 @!p2 $0x0  }
0x1d: {  	s5 =	simm.s32 @p1 $0x1;
	p0 =	seq.s32 s7, s2  }
0x1e: {  	s7 =	smul.u32 @!p0 $0xF7A, s2;
	p2 =	seq.s32 @!p0 s5, $0x0  }
0x1f: {  	s9 =	smul.u32 $0xF7A, s1;
	s8 =	simm.s32 @!p0 $0x1BF5;
	p2 =	por !p2, p0  }
0x20: {  	[sflag:s8] =	ssyncset.s32 @!p0 $0xFFFFF086;
	s6 =	sadd.s32 @!p0 s3, s7;
	s7 =	simm.s32 @!p0 $0x108  }
0x21: {  	s3 =	sadd.s32 s3, s9;
	s6 =	sadd.s32 @!p0 $0x88, s6;
	s7 =	simm.s32 @p2 $0x1082  }
0x22: {  	[simem:s7], [sflag:s8] =	dma.local @!p0 [hbm:s6], $0xF7A  }
0x23: {  	s9 =	sor.u32 $0xD0000000, s2;
	s6 =	simm.s32 $0x108;
	_ =	swait.ge @!p0 [sflag:s8], $0x0  }
0x24: {  	s3 =	sadd.s32 $0x88, s3;
	s6 =	simm.s32 @!p1 $0x1082;
	[sflag:s4] =	ssyncset.s32 $0xFFFFF086  }
0x25: {  	[simem:s6], [sflag:s4] =	dma.local [hbm:s3], $0xF7A  }
0x26: {  	[smem:$0x3F9B] =	sst s1;
	(tag) =	ssettag s2;
	_ =	strace s9  }
0x27: {  	s1 =	sld [smem:$0x3FAB]  }
0x28: {  	s2 =	sld [smem:$0x3FAC]  }
0x29: {  	s4 =	sld [smem:$0x3FAE]  }
0x2a: {  	p0 =	seq.s32 s5, $0x0;
	s5 =	sld [smem:$0x3FAF]  }
0x2b: {  	s6 =	sld [smem:$0x3FB0]  }
0x2c: {  	s7 =	sld [smem:$0x3FB1]  }
0x2d: {  	s3 =	simm.s32 $0x108;
	s8 =	sld [smem:$0x3FB2]  }
0x2e: {  	s3 =	simm.s32 @!p0 $0x1082;
	s9 =	sld [smem:$0x3FB3]  }
0x2f: {  	lr =	sadd.s32 s0, s3;
	s0 =	sld [smem:$0x3FAA]  }
0x30: {  	s3 =	sld [smem:$0x3FAD]  }
0x31: {  	[smem:$0x3FB6] =	sst s10  }
0x32: {  	s10 =	sld [smem:$0x3FB4];
	_ =	sdelay $0x3  }
0x33: {  	p0 =	seq.s32 s10, $0x1;
	s10 =	sld [smem:$0x3FB6];
	_ =	sdelay $0x3  }
0x34: {  	[smem:$0x3FB6] =	sst s10  }
0x35: {  	s10 =	sld [smem:$0x3FB5];
	_ =	sdelay $0x3  }
0x36: {  	p1 =	seq.s32 s10, $0x1;
	s10 =	sld [smem:$0x3FB6];
	_ =	sdelay $0x3  }
0x37: {  	[smem:$0x3FB6] =	sst s10  }
0x38: {  	s10 =	sld [smem:$0x3FB7]  }
0x39: {  	_ = 	snop;
	(pc) =	sbr.ind lr, $3  }
0x3a: {  	_ = 	snop  }
0x3b: {  	_ = 	snop  }
0x3c: {  	p2 =	seq.s32 s10, $0x1;
	s10 =	sld [smem:$0x3FB6]  }
0x3d: {  	_ =	shalt  }
0x3e: {  	_ =	shalt  }
0x3f: {  	_ =	shalt  }
0x40: {  	_ =	shalt  }
0x41: {  	_ =	shalt  }
0x42: {  	_ =	shalt  }
0x43: {  	_ =	shalt  }
0x44: {  	_ =	shalt  }
0x45: {  	_ =	shalt  }
0x46: {  	_ =	shalt  }
0x47: {  	_ =	shalt  }
0x48: {  	_ =	shalt  }
0x49: {  	_ =	shalt  }
0x4a: {  	_ =	shalt  }
0x4b: {  	_ =	shalt  }
0x4c: {  	_ =	shalt  }
0x4d: {  	_ =	shalt  }
0x4e: {  	_ =	shalt  }
0x4f: {  	_ =	shalt  }
0x50: {  	_ =	shalt  }
0x51: {  	_ =	shalt  }
0x52: {  	_ =	shalt  }
0x53: {  	_ =	shalt  }
0x54: {  	_ =	shalt  }
0x55: {  	_ =	shalt  }
0x56: {  	_ =	shalt  }
0x57: {  	_ =	shalt  }
0x58: {  	_ =	shalt  }
0x59: {  	_ =	shalt  }
0x5a: {  	_ =	shalt  }
0x5b: {  	_ =	shalt  }
0x5c: {  	_ =	shalt  }
0x5d: {  	_ =	shalt  }
0x5e: {  	_ =	shalt  }
0x5f: {  	_ =	shalt  }
0x60: {  	_ =	shalt  }
0x61: {  	_ =	shalt  }
0x62: {  	_ =	shalt  }
0x63: {  	_ =	shalt  }
0x64: {  	_ =	shalt  }
0x65: {  	_ =	shalt  }
0x66: {  	_ =	shalt  }
0x67: {  	_ =	shalt  }
0x68: {  	_ =	shalt  }
0x69: {  	_ =	shalt  }
0x6a: {  	_ =	shalt  }
0x6b: {  	_ =	shalt  }
0x6c: {  	_ =	shalt  }
0x6d: {  	_ =	shalt  }
0x6e: {  	_ =	shalt  }
0x6f: {  	_ =	shalt  }
0x70: {  	_ =	shalt  }
0x71: {  	_ =	shalt  }
0x72: {  	_ =	shalt  }
0x73: {  	_ =	shalt  }
0x74: {  	_ =	shalt  }
0x75: {  	_ =	shalt  }
0x76: {  	_ =	shalt  }
0x77: {  	_ =	shalt  }
0x78: {  	_ =	shalt  }
0x79: {  	_ =	shalt  }
0x7a: {  	_ =	shalt  }
0x7b: {  	_ =	shalt  }
0x7c: {  	_ =	shalt  }
0x7d: {  	_ =	shalt  }
0x7e: {  	_ =	shalt  }
0x7f: {  	_ =	shalt  }
0x80: {  	_ =	shalt  }
0x81: {  	_ =	shalt  }
0x82: {  	_ =	shalt  }
0x83: {  	_ =	shalt  }
0x84: {  	_ =	shalt  }
0x85: {  	_ =	shalt  }
0x86: {  	_ =	shalt  }
0x87: {  	_ =	shalt  }
.Lfunc_end0:
.L_simem_size_0:
called_computation_lowered:
.L_overlay_start_0:
0x88: {  	s2 =	sld [smem:$0x3FD9]  }
0x89: {  	s3 =	sld [smem:$0x3FFE];
	_ =	sdelay $0x1  }
0x8a: {  	s1 =	srdreg.scid  }
0x8b: {  	s0 =	sand.u32 $0x1, s1  }
0x8c: {  	s30 =	sshll.u32 s0, $0xA;
	s2 =	sadd.s32 s3, s2  }
0x8d: {  	s2 =	sadd.s32 s2, s30  }
0x8e: {  	[smem:$0x3FC2] =	sst s2  }
0x8f: {  	_ = 	snop  }
0x90: {  	s2 =	sld [smem:$0x3FC9]  }
0x91: {  	s31 =	sld [smem:$0x3FC8]  }
0x92: {  	s4 =	sld [smem:$0x3FC7]  }
0x93: {  	s5 =	sld [smem:$0x3FD0]  }
0x94: {  	s6 =	sld [smem:$0x3FC6]  }
0x95: {  	s7 =	sld [smem:$0x3FC5]  }
0x96: {  	s9 =	simm.s32 $0xA;
	s10 =	simm.s32 $0x10;
	s8 =	sld [smem:$0x3FC4]  }
0x97: {  	[smem:s10], [sflag:s9] =	dma.local [hbm:s5], $0x1  }
0x98: {  	_ =	swait.eq [sflag:s9], $0x1  }
0x99: {  	s17 =	sld [smem:$0x10]  }
0x9a: {  	s18 =	sld [smem:$0x11];
	[sflag:s9] =	ssyncset.done $0x0  }
0x9b: {  	s11 =	sld [smem:$0x12];
	[sflag:s9] =	ssyncadd.s32 $0xFFFFFFFF  }
0x9c: {  	s19 =	sld [smem:$0x13];
	(tm) =	ssettm $0x1  }
0x9d: {  	s12 =	sld [smem:$0x3FFB];
	_ =	sdelay $0x3  }
0x9e: {  	_ =	strace s12  }
0x9f: {  	s12 =	sld [smem:$0x3FFC];
	_ =	sdelay $0x3  }
0xa0: {  	_ =	strace s12  }
0xa1: {  	s12 =	sld [smem:$0x3FFD];
	_ =	sdelay $0x3  }
0xa2: {  	_ =	strace s12  }
0xa3: {  	_ =	strace $0x8FFFFFFF  }
0xa4: {  	s20 =	sld [smem:$0x3FDB];
	_ =	sdelay $0x1  }
0xa5: {  	s13 =	simm.s32 $_scs_section_size  }
0xa6: {  	s14 =	simm.s32 $_size__tile_overlayer_lowered;
	s15 =	simm.s32 $_tile_overlayer_lowered  }
0xa7: {  	s23 =	simm.s32 $0x1BFF;
	s22 =	sshll.u32 s15, $0x1;
	s12 =	sadd.s32 s13, s20  }
0xa8: {  	s16 =	simm.s32 $0x0;
	s21 =	sshll.u32 s14, $0x1;
	s14 =	sadd.s32 s22, s12  }
0xa9: {  	[timem:s16], [sflag:s23] =	dma.local [hbm:s14], s21  }
0xaa: {  	_ =	swait.ge [sflag:s23], s21  }
0xab: {  	s13 =	ssub.s32 $0x0, s21;
	[sflag:s23] =	ssyncset.done $0x0  }
0xac: {  	[sflag:s23] =	ssyncadd.s32 s13;
	_ =	sdelay $0x1  }
0xad: {  	s24 =	simm.s32 $0x1B8B  }
0xae: {  	_ =	swait.ge [sflag:s24], $0x1  }
0xaf: {  	[sflag:s24] =	ssyncset.done $0x0  }
0xb0: {  	s25 =	simm.s32 $0x1B8E;
	[sflag:s24] =	ssyncadd.s32 $0xFFFFFFFF  }
0xb1: {  	s26 =	simm.s32 $execute0_lowered;
	[smem:$0x3FD2] =	sst s25  }
0xb2: {  	s13 =	sshll.u32 s26, $0x1;
	_ =	strace $0x80000046;
	[dreg:$0x1] =	wrdreg $0xFFFFFFFF  }
0xb3: {  	s28 =	simm.s32 $_size_execute0_lowered;
	s12 =	sadd.s32 s12, s13;
	[dreg:$0x0] =	wrdreg $0x0  }
0xb4: {  	s13 =	sshll.u32 s28, $0x1;
	[dreg:$0x2] =	wrdreg s12  }
0xb5: {  	[dreg:$0x3] =	wrdreg s13  }
0xb6: {  	[dreg:$0x4] =	wrdreg $0xC0  }
0xb7: {  	_ =	task [dreg:s16], $0x5FFFF  }
0xb8: {  	[dreg:$0x1] =	wrdreg $0xFFFFFFFF  }
0xb9: {  	[dreg:$0x0] =	wrdreg $0x60  }
0xba: {  	[dreg:$0x2] =	wrdreg s2  }
0xbb: {  	[dreg:$0x3] =	wrdreg s31  }
0xbc: {  	[dreg:$0x4] =	wrdreg s4  }
0xbd: {  	[dreg:$0x5] =	wrdreg s6  }
0xbe: {  	[dreg:$0x6] =	wrdreg s7  }
0xbf: {  	[dreg:$0x7] =	wrdreg s8  }
0xc0: {  	[dreg:$0x8] =	wrdreg s17  }
0xc1: {  	[dreg:$0x9] =	wrdreg s18  }
0xc2: {  	[dreg:$0xa] =	wrdreg s11  }
0xc3: {  	[dreg:$0xb] =	wrdreg s19  }
0xc4: {  	[dreg:$0xc] =	wrdreg $0x9  }
0xc5: {  	_ =	task.clear_ibuf [dreg:s16], $0xDFFFF;
	_ =	strace $0x90000046  }
0xc6: {  	s29 =	simm.s32 $0x9;
	_ =	strace $0x80000048  }
0xc7: {  	_ =	swait.ge [sflag:s29], $0x1  }
0xc8: {  	[sflag:s29] =	ssyncadd.s32 $0xFFFFFFFF  }
0xc9: {  	_ =	strace $0x90000048  }
0xca: {  	_ =	sfence  }
0xcb: {  	s30 =	sld [smem:$0x0];
	_ =	sdelay $0x2  }
0xcc: {  	s31 =	sshll.u32 s1, $0xD;
	s1 =	sshrl.u32 s1, $0x2  }
0xcd: {  	s3 =	sand.u32 $0x4000, s31;
	s1 =	sadd.s32 s1, s30  }
0xce: {  	s0 =	sor.u32 s3, s0;
	s1 =	sshll.u32 s1, $0x11  }
0xcf: {  	s0 =	sor.u32 s1, s0  }
0xd0: {  	s0 =	sadd.s32 $0x8F2B, s0  }
0xd1: {  	[sflag:s0] =	ssyncadd.remote.s32 $0x1  }
0xd2: {  	_ =	sfence.sel $0xFFFF  }
0xd3: {  	[dreg:$0x0] =	wrdreg $0xFFFFFFFF;
	(pc) =	sbr.abs _section_cstart, $3  }
0xd4: {  	[dreg:$0x1] =	wrdreg $0xFFFFFFFF  }
0xd5: {  	_ =	task.clear_ibuf [dreg:s16], $0x2FFFF;
	_ =	strace $0x9FFFFFFF  }
0xd6: {  	(tm) =	ssettm $0x7FFFFFFF  }
0xd7: {  	_ =	shalt  }
tec
execute0_lowered:
.L_overlay_start_1:
0x0: {  	(tag) =	ssettag $0x1  }
0x1: {  	s20 =	rddreg [dreg:$0x0]  }
0x2: {  	s0 =	rddreg [dreg:$0x1]  }
0x3: {  	s19 =	rddreg [dreg:$0x2]  }
0x4: {  	s12 =	rddreg [dreg:$0x3]  }
0x5: {  	s24 =	rddreg [dreg:$0x4]  }
0x6: {  	s29 =	rddreg [dreg:$0x5]  }
0x7: {  	s16 =	rddreg [dreg:$0x6]  }
0x8: {  	s1 =	rddreg [dreg:$0x7];
	s13 =	srdreg.scid  }
0x9: {  	s9 =	stileid.u32;
	s17 =	rddreg [dreg:$0x8]  }
0xa: {  	s4 =	rddreg [dreg:$0x9];
	s2 =	sand.u32 $0x1, s13;
	s14 =	sshll.u32 s9, $0x1  }
0xb: {  	[dreg:$0xc] =	wrdreg s1;
	s1 =	sor.u32 s2, s14  }
0xc: {  	[dreg:$0xb] =	wrdreg s0;
	s5 =	smul.u32 $0x7D0, s1  }
0xd: {  	[dreg:$0xe] =	wrdreg s2;
	s2 =	simm.s32 $0x0  }
0xe: {  	[smem:$0x7FF] =	sst s2;
	s0 =	sadd.s32 s12, s5  }
0xf: {  	_ =	strace $0x80000047;
	[dreg:$0xd] =	wrdreg s0  }
0x10: {  	s3 =	simm.s32 $0x1;
	s0 =	rddreg [dreg:$0xd]  }
0x11: {  	[tilespmem:s2], [sflag:$0x1] =	stream.linear.gather [hbm4b:s0+s2], $0x3E80, $0x38;
	[tilespmem:$0x18800] =	vst v63  }
0x12: {  	p1 =	slt.u32 s9, $0xC;
	_ =	swait.ge [sflag:s3], $0x3E80  }
0x13: {  	s30 =	smul.u32 $0x1E848, s1;
	p0 =	sne.s32 s1, $0x0;
	[sflag:s3] =	ssyncset.done $0x0  }
0x14: {  	s5 =	sadd.s32 s4, s5;
	s4 =	simm.s32 $0x2;
	[sflag:s3] =	ssyncadd.s32 $0xFFFFC180  }
0x15: {  	[hbm4b:s5+s2] =	stream.linear.scatter [tilespmem:s2], [sflag:$0x2], $0x3E80, $0x38;
	[tilespmem:$0x18800] =	vst v63  }
0x16: {  	s6 =	simm.s32 @!p0 $0x0;
	s7 =	simm.s32 @!p0 $0x1;
	_ =	swait.ge [sflag:s4], $0x3E80  }
0x17: {  	s15 =	sadd.s32 $0xFFD23940, s30;
	s10 =	sadd.s32 $0xFFD29AE8, s30;
	[sflag:s4] =	ssyncset.done $0x0  }
0x18: {  	s13 =	sadd.s32 $0x61A8, s30;
	s8 =	rddreg [dreg:$0xb];
	[sflag:s4] =	ssyncadd.s32 $0xFFFFC180  }
0x19: {  	[tilespmem:s6], [sflag:$0x1] =	stream.linear.gather @!p0 [hbm4b:s8+s6], $0x10, $0x38;
	[tilespmem:$0x18800] =	vst v63  }
0x1a: {  	s31 =	sshrl.u32 s30, $0x3;
	s1 =	sshrl.u32 s15, $0x3;
	_ =	swait.ge @!p0 [sflag:s7], $0x10  }
0x1b: {  	s14 =	sshrl.u32 s10, $0x3;
	s10 =	simm.s32 @!p0 $0x2;
	[sflag:s7] =	ssyncset.done @!p0 $0x0  }
0x1c: {  	s12 =	sadd.s32 s20, s31;
	s11 =	rddreg [dreg:$0xc];
	[sflag:s7] =	ssyncadd.s32 @!p0 $0xFFFFFFF0  }
0x1d: {  	[hbm4b:s11+s6] =	stream.linear.scatter @!p0 [tilespmem:s6], [sflag:$0x2], $0x10, $0x38;
	[tilespmem:$0x18800] =	vst v63  }
0x1e: {  	s15 =	sshrl.u32 s13, $0x3;
	s13 =	sadd.s32 s16, s31;
	_ =	swait.ge @!p0 [sflag:s10], $0x10  }
0x1f: {  	s8 =	sadd.s32 s19, s1;
	s11 =	simm.s32 $0x0;
	[sflag:s10] =	ssyncset.done @!p0 $0x0  }
0x20: {  	s8 =	smov.u32 @p1 s12;
	s11 =	simm.s32 @!p1 $0xC400;
	[sflag:s10] =	ssyncadd.s32 @!p0 $0xFFFFFFF0  }
0x21: {  	[tilespmem:s11], [sflag:$0x1] =	stream.linear.gather [hbm4b:s8+s2], $0x61A8, $0x38;
	[tilespmem:$0x18800] =	vst v63  }
0x22: {  	s9 =	sadd.s32 s17, s1;
	s0 =	smov.u32 s16;
	_ =	swait.ge [sflag:s3], $0x61A8  }
0x23: {  	s16 =	sadd.s32 s20, s15;
	s9 =	smov.u32 @p1 s13;
	[sflag:s3] =	ssyncset.done $0x0  }
0x24: {  	s13 =	simm.s32 $0x6200;
	s12 =	sadd.s32 s19, s14;
	[sflag:s3] =	ssyncadd.s32 $0xFFFF9E58  }
0x25: {  	[hbm4b:s9+s2] =	stream.linear.scatter [tilespmem:s11], [sflag:$0x2], $0x61A8, $0x38;
	[tilespmem:$0x18800] =	vst v63  }
0x26: {  	s13 =	simm.s32 @!p1 $0x12600;
	s12 =	smov.u32 @p1 s16  }
0x27: {  	[tilespmem:s13], [sflag:$0x1] =	stream.linear.gather [hbm4b:s12+s2], $0x61A8, $0x38;
	[tilespmem:$0x18800] =	vst v63  }
0x28: {  	_ =	swait.ge [sflag:s3], $0x61A8  }
0x29: {  	s15 =	sadd.s32 s0, s15;
	s14 =	sadd.s32 s17, s14;
	[sflag:s3] =	ssyncset.done $0x0  }
0x2a: {  	s18 =	sadd.s32 $0xFFD2FC90, s30;
	s14 =	smov.u32 @p1 s15;
	[sflag:s3] =	ssyncadd.s32 $0xFFFF9E58  }
0x2b: {  	[hbm4b:s14+s2] =	stream.linear.scatter [tilespmem:s13], [sflag:$0x2], $0x61A8, $0x38;
	[tilespmem:$0x18800] =	vst v63  }
0x2c: {  	s21 =	sadd.s32 $0x186A, s31;
	s16 =	sshrl.u32 s18, $0x3;
	_ =	swait.ge [sflag:s4], $0x61A8  }
0x2d: {  	s18 =	sadd.s32 s20, s21;
	s15 =	sadd.s32 s19, s16;
	[sflag:s4] =	ssyncset.done $0x0  }
0x2e: {  	s15 =	smov.u32 @p1 s18;
	[sflag:s4] =	ssyncadd.s32 $0xFFFF9E58  }
0x2f: {  	[tilespmem:s11], [sflag:$0x1] =	stream.linear.gather [hbm4b:s15+s2], $0x61A8, $0x38;
	[tilespmem:$0x18800] =	vst v63  }
0x30: {  	s22 =	sadd.s32 $0xFFD35E38, s30;
	s1 =	smov.u32 s17;
	_ =	swait.ge [sflag:s3], $0x61A8  }
0x31: {  	s17 =	sadd.s32 s0, s21;
	s16 =	sadd.s32 s1, s16;
	[sflag:s3] =	ssyncset.done $0x0  }
0x32: {  	s23 =	sadd.s32 $0x124F8, s30;
	s16 =	smov.u32 @p1 s17;
	[sflag:s3] =	ssyncadd.s32 $0xFFFF9E58  }
0x33: {  	[hbm4b:s16+s2] =	stream.linear.scatter [tilespmem:s11], [sflag:$0x2], $0x61A8, $0x38;
	[tilespmem:$0x18800] =	vst v63  }
0x34: {  	s21 =	sshrl.u32 s22, $0x3;
	s22 =	sshrl.u32 s23, $0x3;
	_ =	swait.ge [sflag:s4], $0x61A8  }
0x35: {  	s17 =	sadd.s32 s19, s21;
	s18 =	sadd.s32 s20, s22;
	[sflag:s4] =	ssyncset.done $0x0  }
0x36: {  	s17 =	smov.u32 @p1 s18;
	[sflag:s4] =	ssyncadd.s32 $0xFFFF9E58  }
0x37: {  	[tilespmem:s13], [sflag:$0x1] =	stream.linear.gather [hbm4b:s17+s2], $0x61A8, $0x38;
	[tilespmem:$0x18800] =	vst v63  }
0x38: {  	_ =	swait.ge [sflag:s3], $0x61A8  }
0x39: {  	s18 =	sadd.s32 s1, s21;
	s21 =	sadd.s32 s0, s22;
	[sflag:s3] =	ssyncset.done $0x0  }
0x3a: {  	s25 =	sadd.s32 $0xFFD3BFE0, s30;
	s18 =	smov.u32 @p1 s21;
	[sflag:s3] =	ssyncadd.s32 $0xFFFF9E58  }
0x3b: {  	[hbm4b:s18+s2] =	stream.linear.scatter [tilespmem:s13], [sflag:$0x2], $0x61A8, $0x38;
	[tilespmem:$0x18800] =	vst v63  }
0x3c: {  	s26 =	sadd.s32 $0x30D4, s31;
	s21 =	sshrl.u32 s25, $0x3;
	_ =	swait.ge [sflag:s4], $0x61A8  }
0x3d: {  	s20 =	sadd.s32 s20, s26;
	s19 =	sadd.s32 s19, s21;
	[sflag:s4] =	ssyncset.done $0x0  }
0x3e: {  	s19 =	smov.u32 @p1 s20;
	[sflag:s4] =	ssyncadd.s32 $0xFFFF9E58  }
0x3f: {  	[tilespmem:s11], [sflag:$0x1] =	stream.linear.gather [hbm4b:s19+s2], $0x61A8, $0x38;
	[tilespmem:$0x18800] =	vst v63  }
0x40: {  	s28 =	smov.u32 s0;
	s23 =	sadd.s32 $0xFFE17B80, s30;
	_ =	swait.ge [sflag:s3], $0x61A8  }
0x41: {  	s20 =	sadd.s32 s1, s21;
	s21 =	sadd.s32 s0, s26;
	[sflag:s3] =	ssyncset.done $0x0  }
0x42: {  	s25 =	sshrl.u32 s23, $0x3;
	s20 =	smov.u32 @p1 s21;
	[sflag:s3] =	ssyncadd.s32 $0xFFFF9E58  }
0x43: {  	[hbm4b:s20+s2] =	stream.linear.scatter [tilespmem:s11], [sflag:$0x2], $0x61A8, $0x38;
	[tilespmem:$0x18800] =	vst v63  }
0x44: {  	s23 =	sadd.s32 $0x5B8D8, s31;
	s0 =	smov.u32 s24;
	_ =	swait.ge [sflag:s4], $0x61A8  }
0x45: {  	s24 =	sadd.s32 s24, s23;
	s21 =	sadd.s32 s29, s25;
	[sflag:s4] =	ssyncset.done $0x0  }
0x46: {  	s21 =	smov.u32 @p1 s24;
	[sflag:s4] =	ssyncadd.s32 $0xFFFF9E58  }
0x47: {  	[tilespmem:s13], [sflag:$0x1] =	stream.linear.gather [hbm4b:s21+s2], $0x61A8, $0x38;
	[tilespmem:$0x18800] =	vst v63  }
0x48: {  	s22 =	sadd.s32 s1, s25;
	_ =	swait.ge [sflag:s3], $0x61A8  }
0x49: {  	s23 =	sadd.s32 s28, s23;
	s26 =	sadd.s32 $0xFFE1DD28, s30;
	[sflag:s3] =	ssyncset.done $0x0  }
0x4a: {  	s1 =	sadd.s32 $0x2E2868, s30;
	s22 =	smov.u32 @p1 s23;
	[sflag:s3] =	ssyncadd.s32 $0xFFFF9E58  }
0x4b: {  	[hbm4b:s22+s2] =	stream.linear.scatter [tilespmem:s13], [sflag:$0x2], $0x61A8, $0x38;
	[tilespmem:$0x18800] =	vst v63  }
0x4c: {  	s25 =	sshrl.u32 s26, $0x3;
	s26 =	sshrl.u32 s1, $0x3;
	_ =	swait.ge [sflag:s4], $0x61A8  }
0x4d: {  	s23 =	sadd.s32 s29, s25;
	s24 =	sadd.s32 s0, s26;
	[sflag:s4] =	ssyncset.done $0x0  }
0x4e: {  	s23 =	smov.u32 @p1 s24;
	[sflag:s4] =	ssyncadd.s32 $0xFFFF9E58  }
0x4f: {  	[tilespmem:s11], [sflag:$0x1] =	stream.linear.gather [hbm4b:s23+s2], $0x61A8, $0x38;
	[tilespmem:$0x18800] =	vst v63  }
0x50: {  	_ =	swait.ge [sflag:s3], $0x61A8  }
0x51: {  	s24 =	rddreg [dreg:$0x8]  }
0x52: {  	s0 =	rddreg [dreg:$0x8]  }
0x53: {  	[sflag:s3] =	ssyncset.done $0x0;
	s24 =	sadd.s32 s24, s25;
	s25 =	sadd.s32 s28, s26  }
0x54: {  	[sflag:s3] =	ssyncadd.s32 $0xFFFF9E58;
	s24 =	smov.u32 @p1 s25  }
0x55: {  	[hbm4b:s24+s2] =	stream.linear.scatter [tilespmem:s11], [sflag:$0x2], $0x61A8, $0x38;
	[tilespmem:$0x18800] =	vst v63  }
0x56: {  	s26 =	sadd.s32 $0xFFE23ED0, s30;
	_ =	swait.ge [sflag:s4], $0x61A8  }
0x57: {  	s1 =	smov.u32 s28;
	s26 =	sshrl.u32 s26, $0x3;
	[sflag:s4] =	ssyncset.done $0x0  }
0x58: {  	s28 =	sadd.s32 $0x5D142, s31;
	s25 =	sadd.s32 s29, s26;
	s29 =	rddreg [dreg:$0x4]  }
0x59: {  	s29 =	sadd.s32 s29, s28  }
0x5a: {  	[sflag:s4] =	ssyncadd.s32 $0xFFFF9E58;
	s25 =	smov.u32 @p1 s29  }
0x5b: {  	[tilespmem:s13], [sflag:$0x1] =	stream.linear.gather [hbm4b:s25+s2], $0x61A8, $0x38;
	[tilespmem:$0x18800] =	vst v63  }
0x5c: {  	_ =	swait.ge [sflag:s3], $0x61A8  }
0x5d: {  	s26 =	sadd.s32 s0, s26;
	s28 =	sadd.s32 s1, s28;
	[sflag:s3] =	ssyncset.done $0x0  }
0x5e: {  	s26 =	smov.u32 @p1 s28;
	[sflag:s3] =	ssyncadd.s32 $0xFFFF9E58  }
0x5f: {  	[hbm4b:s26+s2] =	stream.linear.scatter [tilespmem:s13], [sflag:$0x2], $0x61A8, $0x38;
	[tilespmem:$0x18800] =	vst v63  }
0x60: {  	_ =	swait.ge [sflag:s4], $0x61A8  }
0x61: {  	s28 =	sadd.s32 $0xFFE2A078, s30;
	[sflag:s4] =	ssyncset.done $0x0  }
0x62: {  	s29 =	sadd.s32 $0x2EEBB8, s30;
	s0 =	sshrl.u32 s28, $0x3;
	s28 =	rddreg [dreg:$0x5]  }
0x63: {  	s1 =	sshrl.u32 s29, $0x3;
	s29 =	rddreg [dreg:$0x4]  }
0x64: {  	s28 =	sadd.s32 s28, s0;
	s29 =	sadd.s32 s29, s1  }
0x65: {  	[sflag:s4] =	ssyncadd.s32 $0xFFFF9E58;
	s28 =	smov.u32 @p1 s29  }
0x66: {  	[tilespmem:s11], [sflag:$0x1] =	stream.linear.gather [hbm4b:s28+s2], $0x61A8, $0x38;
	[tilespmem:$0x18800] =	vst v63  }
0x67: {  	_ =	swait.ge [sflag:s3], $0x61A8  }
0x68: {  	s29 =	rddreg [dreg:$0x8]  }
0x69: {  	s29 =	sadd.s32 s29, s0;
	s0 =	rddreg [dreg:$0x6]  }
0x6a: {  	[sflag:s3] =	ssyncset.done $0x0;
	s0 =	sadd.s32 s0, s1  }
0x6b: {  	[sflag:s3] =	ssyncadd.s32 $0xFFFF9E58;
	s29 =	smov.u32 @p1 s0  }
0x6c: {  	[hbm4b:s29+s2] =	stream.linear.scatter [tilespmem:s11], [sflag:$0x2], $0x61A8, $0x38;
	[tilespmem:$0x18800] =	vst v63  }
0x6d: {  	_ =	swait.ge [sflag:s4], $0x61A8  }
0x6e: {  	s1 =	sadd.s32 $0xFFE30220, s30;
	s30 =	rddreg [dreg:$0x5]  }
0x6f: {  	s0 =	sshrl.u32 s1, $0x3;
	s1 =	sadd.s32 $0x5E9AC, s31;
	s31 =	rddreg [dreg:$0x4]  }
0x70: {  	[sflag:s4] =	ssyncset.done $0x0;
	s30 =	sadd.s32 s30, s0;
	s31 =	sadd.s32 s31, s1  }
0x71: {  	[sflag:s4] =	ssyncadd.s32 $0xFFFF9E58;
	s30 =	smov.u32 @p1 s31  }
0x72: {  	[tilespmem:s13], [sflag:$0x1] =	stream.linear.gather [hbm4b:s30+s2], $0x61A8, $0x38;
	[tilespmem:$0x18800] =	vst v63  }
0x73: {  	_ =	swait.ge [sflag:s3], $0x61A8  }
0x74: {  	s31 =	rddreg [dreg:$0x8]  }
0x75: {  	s31 =	sadd.s32 s31, s0;
	s0 =	rddreg [dreg:$0x6]  }
0x76: {  	[sflag:s3] =	ssyncset.done $0x0;
	s0 =	sadd.s32 s0, s1;
	s1 =	rddreg [dreg:$0xe]  }
0x77: {  	[sflag:s3] =	ssyncadd.s32 $0xFFFF9E58;
	s31 =	smov.u32 @p1 s0;
	s0 =	ssub.s32 $0x2, s1  }
0x78: {  	[hbm4b:s31+s2] =	stream.linear.scatter [tilespmem:s13], [sflag:$0x2], $0x61A8, $0x38;
	[tilespmem:$0x18800] =	vst v63  }
0x79: {  	s1 =	sshrl.u32 s0, $0x1  }
0x7a: {  	s0 =	ssub.s32 s0, s1  }
0x7b: {  	s0 =	smax.u32 s0, $0x1  }
0x7c: {  	s1 =	sadd.s32 $0xFFFFFFFF, s0  }
0x7d: {  	p1 =	sne.s32 s1, $0x0  }
.Ltmp0:
0x7e: {  	_ =	swait.ge [sflag:s4], $0x61A8;
	(pc) =	sbr.rel @!p1 .LBB2_2-.Ltmp0, $4  }
0x7f: {  	[sflag:s4] =	ssyncset.done $0x0  }
0x80: {  	[sflag:s4] =	ssyncadd.s32 $0xFFFF9E58  }
0x81: {  	_ =	swait.ge [sflag:s4], $0x61A8  }
0x82: {  	[sflag:s4] =	ssyncset.done $0x0  }
.LBB2_1:
0x83: {  	s0 =	rddreg [dreg:$0xd];
	[sflag:s4] =	ssyncadd.s32 $0xFFFF9E58  }
0x84: {  	[tilespmem:s2], [sflag:$0x1] =	stream.linear.gather [hbm4b:s0+s2], $0x3E80, $0x38;
	[tilespmem:$0x18800] =	vst v63  }
0x85: {  	_ =	swait.ge [sflag:s3], $0x3E80  }
0x86: {  	[sflag:s3] =	ssyncset.done $0x0  }
0x87: {  	[sflag:s3] =	ssyncadd.s32 $0xFFFFC180  }
0x88: {  	[hbm4b:s5+s2] =	stream.linear.scatter [tilespmem:s2], [sflag:$0x2], $0x3E80, $0x38;
	[tilespmem:$0x18800] =	vst v63  }
0x89: {  	_ =	swait.ge [sflag:s4], $0x3E80  }
0x8a: {  	[sflag:s4] =	ssyncset.done $0x0  }
0x8b: {  	s0 =	rddreg [dreg:$0xb];
	[sflag:s4] =	ssyncadd.s32 $0xFFFFC180  }
0x8c: {  	[tilespmem:s6], [sflag:$0x1] =	stream.linear.gather @!p0 [hbm4b:s0+s6], $0x10, $0x38;
	[tilespmem:$0x18800] =	vst v63  }
0x8d: {  	_ =	swait.ge @!p0 [sflag:s7], $0x10  }
0x8e: {  	[sflag:s7] =	ssyncset.done @!p0 $0x0  }
0x8f: {  	s0 =	rddreg [dreg:$0xc];
	[sflag:s7] =	ssyncadd.s32 @!p0 $0xFFFFFFF0  }
0x90: {  	[hbm4b:s0+s6] =	stream.linear.scatter @!p0 [tilespmem:s6], [sflag:$0x2], $0x10, $0x38;
	[tilespmem:$0x18800] =	vst v63  }
0x91: {  	_ =	swait.ge @!p0 [sflag:s10], $0x10  }
0x92: {  	[sflag:s10] =	ssyncset.done @!p0 $0x0  }
0x93: {  	[sflag:s10] =	ssyncadd.s32 @!p0 $0xFFFFFFF0  }
0x94: {  	[tilespmem:s11], [sflag:$0x1] =	stream.linear.gather [hbm4b:s8+s2], $0x61A8, $0x38;
	[tilespmem:$0x18800] =	vst v63  }
0x95: {  	_ =	swait.ge [sflag:s3], $0x61A8  }
0x96: {  	[sflag:s3] =	ssyncset.done $0x0  }
0x97: {  	[sflag:s3] =	ssyncadd.s32 $0xFFFF9E58  }
0x98: {  	[hbm4b:s9+s2] =	stream.linear.scatter [tilespmem:s11], [sflag:$0x2], $0x61A8, $0x38;
	[tilespmem:$0x18800] =	vst v63  }
0x99: {  	_ = 	snop  }
0x9a: {  	[tilespmem:s13], [sflag:$0x1] =	stream.linear.gather [hbm4b:s12+s2], $0x61A8, $0x38;
	[tilespmem:$0x18800] =	vst v63  }
0x9b: {  	_ =	swait.ge [sflag:s3], $0x61A8  }
0x9c: {  	[sflag:s3] =	ssyncset.done $0x0  }
0x9d: {  	[sflag:s3] =	ssyncadd.s32 $0xFFFF9E58  }
0x9e: {  	[hbm4b:s14+s2] =	stream.linear.scatter [tilespmem:s13], [sflag:$0x2], $0x61A8, $0x38;
	[tilespmem:$0x18800] =	vst v63  }
0x9f: {  	_ =	swait.ge [sflag:s4], $0x61A8  }
0xa0: {  	[sflag:s4] =	ssyncset.done $0x0  }
0xa1: {  	[sflag:s4] =	ssyncadd.s32 $0xFFFF9E58  }
0xa2: {  	[tilespmem:s11], [sflag:$0x1] =	stream.linear.gather [hbm4b:s15+s2], $0x61A8, $0x38;
	[tilespmem:$0x18800] =	vst v63  }
0xa3: {  	_ =	swait.ge [sflag:s3], $0x61A8  }
0xa4: {  	[sflag:s3] =	ssyncset.done $0x0  }
0xa5: {  	[sflag:s3] =	ssyncadd.s32 $0xFFFF9E58  }
0xa6: {  	[hbm4b:s16+s2] =	stream.linear.scatter [tilespmem:s11], [sflag:$0x2], $0x61A8, $0x38;
	[tilespmem:$0x18800] =	vst v63  }
0xa7: {  	_ =	swait.ge [sflag:s4], $0x61A8  }
0xa8: {  	[sflag:s4] =	ssyncset.done $0x0  }
0xa9: {  	[sflag:s4] =	ssyncadd.s32 $0xFFFF9E58  }
0xaa: {  	[tilespmem:s13], [sflag:$0x1] =	stream.linear.gather [hbm4b:s17+s2], $0x61A8, $0x38;
	[tilespmem:$0x18800] =	vst v63  }
0xab: {  	_ =	swait.ge [sflag:s3], $0x61A8  }
0xac: {  	[sflag:s3] =	ssyncset.done $0x0  }
0xad: {  	[sflag:s3] =	ssyncadd.s32 $0xFFFF9E58  }
0xae: {  	[hbm4b:s18+s2] =	stream.linear.scatter [tilespmem:s13], [sflag:$0x2], $0x61A8, $0x38;
	[tilespmem:$0x18800] =	vst v63  }
0xaf: {  	_ =	swait.ge [sflag:s4], $0x61A8  }
0xb0: {  	[sflag:s4] =	ssyncset.done $0x0  }
0xb1: {  	[sflag:s4] =	ssyncadd.s32 $0xFFFF9E58  }
0xb2: {  	[tilespmem:s11], [sflag:$0x1] =	stream.linear.gather [hbm4b:s19+s2], $0x61A8, $0x38;
	[tilespmem:$0x18800] =	vst v63  }
0xb3: {  	_ =	swait.ge [sflag:s3], $0x61A8  }
0xb4: {  	[sflag:s3] =	ssyncset.done $0x0  }
0xb5: {  	[sflag:s3] =	ssyncadd.s32 $0xFFFF9E58  }
0xb6: {  	[hbm4b:s20+s2] =	stream.linear.scatter [tilespmem:s11], [sflag:$0x2], $0x61A8, $0x38;
	[tilespmem:$0x18800] =	vst v63  }
0xb7: {  	_ =	swait.ge [sflag:s4], $0x61A8  }
0xb8: {  	[sflag:s4] =	ssyncset.done $0x0  }
0xb9: {  	[sflag:s4] =	ssyncadd.s32 $0xFFFF9E58  }
0xba: {  	[tilespmem:s13], [sflag:$0x1] =	stream.linear.gather [hbm4b:s21+s2], $0x61A8, $0x38;
	[tilespmem:$0x18800] =	vst v63  }
0xbb: {  	_ =	swait.ge [sflag:s3], $0x61A8  }
0xbc: {  	[sflag:s3] =	ssyncset.done $0x0  }
0xbd: {  	[sflag:s3] =	ssyncadd.s32 $0xFFFF9E58  }
0xbe: {  	[hbm4b:s22+s2] =	stream.linear.scatter [tilespmem:s13], [sflag:$0x2], $0x61A8, $0x38;
	[tilespmem:$0x18800] =	vst v63  }
0xbf: {  	_ =	swait.ge [sflag:s4], $0x61A8  }
0xc0: {  	[sflag:s4] =	ssyncset.done $0x0  }
0xc1: {  	[sflag:s4] =	ssyncadd.s32 $0xFFFF9E58  }
0xc2: {  	[tilespmem:s11], [sflag:$0x1] =	stream.linear.gather [hbm4b:s23+s2], $0x61A8, $0x38;
	[tilespmem:$0x18800] =	vst v63  }
0xc3: {  	_ =	swait.ge [sflag:s3], $0x61A8  }
0xc4: {  	[sflag:s3] =	ssyncset.done $0x0  }
0xc5: {  	[sflag:s3] =	ssyncadd.s32 $0xFFFF9E58  }
0xc6: {  	[hbm4b:s24+s2] =	stream.linear.scatter [tilespmem:s11], [sflag:$0x2], $0x61A8, $0x38;
	[tilespmem:$0x18800] =	vst v63  }
0xc7: {  	_ =	swait.ge [sflag:s4], $0x61A8  }
0xc8: {  	[sflag:s4] =	ssyncset.done $0x0  }
0xc9: {  	[sflag:s4] =	ssyncadd.s32 $0xFFFF9E58  }
0xca: {  	[tilespmem:s13], [sflag:$0x1] =	stream.linear.gather [hbm4b:s25+s2], $0x61A8, $0x38;
	[tilespmem:$0x18800] =	vst v63  }
0xcb: {  	_ =	swait.ge [sflag:s3], $0x61A8  }
0xcc: {  	[sflag:s3] =	ssyncset.done $0x0  }
0xcd: {  	[sflag:s3] =	ssyncadd.s32 $0xFFFF9E58  }
0xce: {  	[hbm4b:s26+s2] =	stream.linear.scatter [tilespmem:s13], [sflag:$0x2], $0x61A8, $0x38;
	[tilespmem:$0x18800] =	vst v63  }
0xcf: {  	_ =	swait.ge [sflag:s4], $0x61A8  }
0xd0: {  	[sflag:s4] =	ssyncset.done $0x0  }
0xd1: {  	[sflag:s4] =	ssyncadd.s32 $0xFFFF9E58  }
0xd2: {  	[tilespmem:s11], [sflag:$0x1] =	stream.linear.gather [hbm4b:s28+s2], $0x61A8, $0x38;
	[tilespmem:$0x18800] =	vst v63  }
0xd3: {  	_ =	swait.ge [sflag:s3], $0x61A8  }
0xd4: {  	[sflag:s3] =	ssyncset.done $0x0  }
0xd5: {  	[sflag:s3] =	ssyncadd.s32 $0xFFFF9E58  }
0xd6: {  	[hbm4b:s29+s2] =	stream.linear.scatter [tilespmem:s11], [sflag:$0x2], $0x61A8, $0x38;
	[tilespmem:$0x18800] =	vst v63  }
0xd7: {  	_ =	swait.ge [sflag:s4], $0x61A8  }
0xd8: {  	[sflag:s4] =	ssyncset.done $0x0  }
0xd9: {  	[sflag:s4] =	ssyncadd.s32 $0xFFFF9E58  }
0xda: {  	[tilespmem:s13], [sflag:$0x1] =	stream.linear.gather [hbm4b:s30+s2], $0x61A8, $0x38;
	[tilespmem:$0x18800] =	vst v63  }
0xdb: {  	_ =	swait.ge [sflag:s3], $0x61A8  }
0xdc: {  	s1 =	sadd.s32 $0xFFFFFFFF, s1;
	[sflag:s3] =	ssyncset.done $0x0  }
0xdd: {  	p1 =	sne.s32 s1, $0x0;
	[sflag:s3] =	ssyncadd.s32 $0xFFFF9E58  }
0xde: {  	[hbm4b:s31+s2] =	stream.linear.scatter [tilespmem:s13], [sflag:$0x2], $0x61A8, $0x38;
	[tilespmem:$0x18800] =	vst v63  }
.Ltmp1:
0xdf: {  	_ =	swait.ge [sflag:s4], $0x61A8;
	(pc) =	sbr.rel @p1 .LBB2_1-.Ltmp1, $4  }
0xe0: {  	[sflag:s4] =	ssyncset.done $0x0  }
0xe1: {  	[sflag:s4] =	ssyncadd.s32 $0xFFFF9E58  }
0xe2: {  	_ =	swait.ge [sflag:s4], $0x61A8  }
0xe3: {  	[sflag:s4] =	ssyncset.done $0x0  }
.LBB2_2:
0xe4: {  	[sflag:s4] =	ssyncadd.s32 $0xFFFF9E58  }
0xe5: {  	_ =	sfence.sel $0x180000  }
0xe6: {  	[bflag:$0x0] =	sbarrier.arrive $0xFFFF  }
0xe7: {  	_ =	strace $0x90000047  }
0xe8: {  	s0 =	stileid.u32;
	[bflag:$0x2] =	sbarrier.arrive $0xFFFF  }
0xe9: {  	p0 =	sne.s32 s0, $0x0;
	s0 =	rddreg [dreg:$0xa]  }
0xea: {  	s0 =	sadd.s32 @!p0 $0x100000, s0  }
0xeb: {  	[sflag:s0] =	ssyncadd.tile.s32 @!p0 $0x1;
	_ =	shalt  }
.Lfunc_end2:
_tile_overlayer_lowered:
.L_overlay_start_2:
0xec: {  	(tag) =	ssettag $0x2  }
0xed: {  	s0 =	rddreg [dreg:$0x0];
	s2 =	stileid.u32  }
0xee: {  	s1 =	rddreg [dreg:$0x1];
	p0 =	sne.s32 s2, $0x0  }
0xef: {  	s3 =	rddreg [dreg:$0x2];
	[bflag:$0x3] =	sbarrier.arrive $0xFFFF;
	s2 =	simm.s32 @!p0 $0x1C03  }
0xf0: {  	[timem:s3], [sflag:s2] =	dma.local @!p0 [hbm:s0], s1  }
0xf1: {  	s0 =	simm.s32 @!p0 $0x3  }
0xf2: {  	_ =	swait.ge @!p0 [sflag:s0], s1  }
0xf3: {  	s1 =	ssub.s32 @!p0 $0x0, s1;
	[sflag:s0] =	ssyncset.done @!p0 $0x0  }
0xf4: {  	[sflag:s0] =	ssyncadd.s32 @!p0 s1  }
0xf5: {  	[bflag:$0x3] =	sbarrier.arrive $0xFFFF  }
0xf6: {  	_ =	shalt  }

</sc_bundles>
